<compile_context>
chip_gen: v7x
topology: tpu7x:2x2x1
jax: 0.10.2.dev20260603
libtpu: 0.0.44.dev20260713+nightly
codegen_flags: <defaults>
</compile_context>

<pallas_src>
import functools

import jax
import jax.numpy as jnp
from jax import lax
from jax.experimental import pallas as pl
from jax.experimental.pallas import tpu as pltpu
from jax.experimental.pallas import tpu_sc as plsc

_TABLE_ROWS = 1000000
_BATCH = 16384
_N_FIELDS = 26
_NC = 2
_NS = 16
_NW = _NC * _NS

_ROWS_PER_TILE = _BATCH // _NW
_CHUNK = 128
_CPF = _ROWS_PER_TILE // _CHUNK
_FIRE = 13
_N_DESC = _N_FIELDS * _CPF
_N_GROUPS = _N_DESC // _FIRE
_L = 16


def _sc_body(ids_hbm, table_hbm, bias_hbm, out_hbm,
             idx_v, vals_v, out_v, bias_v, sem):
    wid = lax.axis_index("s") * _NC + lax.axis_index("c")
    base = wid * _ROWS_PER_TILE

    pltpu.sync_copy(ids_hbm.at[wid], idx_v)
    pltpu.sync_copy(bias_hbm, bias_v.at[pl.ds(0, 1)])

    bias_vec = plsc.load_gather(bias_v, [jnp.zeros((_L,), jnp.int32)])
    iota16 = lax.iota(jnp.int32, _L)

    def reduce_chunk(c, carry):
        rbase = c * _L
        acc = bias_vec
        for f in range(_N_FIELDS):
            acc = acc + plsc.load_gather(vals_v, [iota16 + (rbase + f * _ROWS_PER_TILE)])
        out_v[pl.ds(rbase, _L)] = acc
        return carry

    def gather_group(g, carry):
        copies = []
        for b in range(_FIRE):
            j = g * _FIRE + b
            copies.append(pltpu.async_copy(
                table_hbm.at[idx_v.at[j]],
                vals_v.at[pl.ds(j * _CHUNK, _CHUNK)],
                sem))
        for cp in copies:
            cp.wait()
        return carry

    lax.fori_loop(0, _N_GROUPS, gather_group, 0)

    lax.fori_loop(0, _ROWS_PER_TILE // _L, reduce_chunk, 0)

    pltpu.sync_copy(out_v, out_hbm.at[pl.ds(base, _ROWS_PER_TILE)])


@jax.jit
def _lr_sc(ids_t, table_flat, bias):
    mesh = plsc.VectorSubcoreMesh(core_axis_name="c", subcore_axis_name="s")
    kern = functools.partial(
        pl.kernel,
        mesh=mesh,
        out_type=jax.ShapeDtypeStruct((_BATCH,), jnp.float32),
        scratch_types=[
            pltpu.VMEM((_N_DESC, _CHUNK), jnp.int32),
            pltpu.VMEM((_N_FIELDS * _ROWS_PER_TILE,), jnp.float32),
            pltpu.VMEM((_ROWS_PER_TILE,), jnp.float32),
            pltpu.VMEM((_L,), jnp.float32),
            pltpu.SemaphoreType.DMA,
        ],
        compiler_params=pltpu.CompilerParams(needs_layout_passes=False),
    )(_sc_body)
    return kern(ids_t, table_flat, bias)


def kernel(input_ids, embed_w, bias):
    ids_fm = (input_ids.T
              .reshape(_N_FIELDS, _NW, _ROWS_PER_TILE)
              .swapaxes(0, 1)
              .reshape(_NW, _N_DESC, _CHUNK))
    table_flat = embed_w.reshape(-1)
    out = _lr_sc(ids_fm, table_flat, bias)
    return out.reshape(_BATCH, 1)

# --- scband reference (transcript-rebuilt; emitter-appended) ---
"""Pipeline reference for scband-lr-66872640798980 (READ-ONLY COPY).

The authoritative reference and input builder live on the scoring server;
editing this copy changes nothing except your own understanding.
"""

import jax, jax.numpy as jnp
import numpy as np

INPUT_SIZE = 1000000
BATCH = 16384
N_FIELDS = 26

def setup_inputs(seed: int = 0) -> dict:
    key = jax.random.key(seed)
    k1, k2 = jax.random.split(key)
    input_ids = jax.random.randint(k1, (BATCH, N_FIELDS), 0, INPUT_SIZE, dtype=jnp.int64 if jax.config.jax_enable_x64 else jnp.int32)
    embed_w = jax.random.normal(k2, (INPUT_SIZE, 1), dtype=jnp.float32) * 0.01
    bias = jnp.zeros((1,), dtype=jnp.float32)
    return {"input_ids": input_ids, "embed_w": embed_w, "bias": bias}

def reference(input_ids, embed_w, bias):
    # wx = self.embed_w(input_ids) -> [B, n_fields, 1]
    wx = jnp.take(embed_w, input_ids, axis=0)
    # logits = wx.sum(dim=1) + self.bias -> [B, 1]
    logits = wx.sum(axis=1) + bias
    return logits

if __name__ == "__main__":
    import jax
    _d = setup_inputs()
    print(jax.jit(kernel)(*tuple(_d.values())))

</pallas_src>

<mosaic_0001>
#map = affine_map<(d0, d1) -> (0, 0, 0)>
#map1 = affine_map<(d0, d1) -> (0)>
module attributes {stable_mosaic.version = 14 : i64} {
  func.func @_sc_body(%arg0: i32, %arg1: i32, %arg2: memref<32x104x128xi32, #tpu.memory_space<hbm>>, %arg3: memref<1000000xf32, #tpu.memory_space<hbm>>, %arg4: memref<1xf32, #tpu.memory_space<hbm>>, %arg5: memref<16384xf32, #tpu.memory_space<hbm>>, %arg6: memref<104x128xi32, #tpu.memory_space<vmem>>, %arg7: memref<13312xf32, #tpu.memory_space<vmem>>, %arg8: memref<512xf32, #tpu.memory_space<vmem>>, %arg9: memref<16xf32, #tpu.memory_space<vmem>>, %arg10: memref<!tpu.dma_semaphore, #tpu.memory_space<semaphore_mem>>) attributes {dimension_semantics = [#tpu.dimension_semantics<core_parallel>, #tpu.dimension_semantics<subcore_parallel>], iteration_bounds = array<i64: 2, 16>, scalar_prefetch = 0 : i64, scratch_operands = 5 : i64, tpu.core_type = #tpu.core_type<sc_vector_subcore>, window_params = [{transform_indices = #map}, {transform_indices = #map1}, {transform_indices = #map1}, {transform_indices = #map1}]} {
    %mul3A = arith.constant 2 : i32
    %mul3A_0 = arith.muli %arg1, %mul3A : i32
    %add3A = arith.addi %mul3A_0, %arg0 : i32
    %mul3A_1 = arith.constant 512 : i32
    %mul3A_2 = arith.muli %add3A, %mul3A_1 : i32
    "tpu.region"() ({
      %run_scoped3A = tpu.sem_alloc : memref<!tpu.dma_semaphore, #tpu.memory_space<semaphore_mem>>
      %dma_start3A = arith.constant 0 : i32
      %dma_start3A_15 = arith.constant 0 : i32
      %dma_start3A_16 = tpu.memref_slice %arg2[%add3A, %dma_start3A, %dma_start3A_15] : memref<32x104x128xi32, #tpu.memory_space<hbm>> -> memref<1x104x128xi32, #tpu.memory_space<hbm>>
      %dma_start3A_17 = tpu.memref_squeeze %dma_start3A_16 : memref<1x104x128xi32, #tpu.memory_space<hbm>> -> memref<104x128xi32, #tpu.memory_space<hbm>>
      %dma_start3A_18 = arith.constant 0 : i32
      %dma_start3A_19 = arith.constant 0 : i32
      %dma_start3A_20 = tpu.memref_slice %arg2[%add3A, %dma_start3A_18, %dma_start3A_19] : memref<32x104x128xi32, #tpu.memory_space<hbm>> -> memref<1x104x128xi32, #tpu.memory_space<hbm>>
      %dma_start3A_21 = tpu.memref_squeeze %dma_start3A_20 : memref<1x104x128xi32, #tpu.memory_space<hbm>> -> memref<104x128xi32, #tpu.memory_space<hbm>>
      tpu.enqueue_dma source(%dma_start3A_21 : memref<104x128xi32, #tpu.memory_space<hbm>>) target(%arg6 : memref<104x128xi32, #tpu.memory_space<vmem>>) target_semaphore(%run_scoped3A : memref<!tpu.dma_semaphore, #tpu.memory_space<semaphore_mem>>)
      %dma_wait3A = arith.constant 0 : i32
      %dma_wait3A_22 = arith.constant 0 : i32
      %dma_wait3A_23 = tpu.memref_slice %arg2[%add3A, %dma_wait3A, %dma_wait3A_22] : memref<32x104x128xi32, #tpu.memory_space<hbm>> -> memref<1x104x128xi32, #tpu.memory_space<hbm>>
      %dma_wait3A_24 = tpu.memref_squeeze %dma_wait3A_23 : memref<1x104x128xi32, #tpu.memory_space<hbm>> -> memref<104x128xi32, #tpu.memory_space<hbm>>
      %dma_wait3A_25 = arith.constant 0 : i32
      %dma_wait3A_26 = arith.constant 0 : i32
      %dma_wait3A_27 = tpu.memref_slice %arg2[%add3A, %dma_wait3A_25, %dma_wait3A_26] : memref<32x104x128xi32, #tpu.memory_space<hbm>> -> memref<1x104x128xi32, #tpu.memory_space<hbm>>
      %dma_wait3A_28 = tpu.memref_squeeze %dma_wait3A_27 : memref<1x104x128xi32, #tpu.memory_space<hbm>> -> memref<104x128xi32, #tpu.memory_space<hbm>>
      tpu.wait_dma2 semaphore(%run_scoped3A : memref<!tpu.dma_semaphore, #tpu.memory_space<semaphore_mem>>) src(%dma_wait3A_28 : memref<104x128xi32, #tpu.memory_space<hbm>>) dst(%arg6 : memref<104x128xi32, #tpu.memory_space<vmem>>)
      tpu.yield
    }) : () -> ()
    "tpu.region"() ({
      %run_scoped3A = tpu.sem_alloc : memref<!tpu.dma_semaphore, #tpu.memory_space<semaphore_mem>>
      %dma_start3A = arith.constant 0 : i32
      %dma_start3A_15 = tpu.memref_slice %arg9[%dma_start3A] : memref<16xf32, #tpu.memory_space<vmem>> -> memref<1xf32, #tpu.memory_space<vmem>>
      %dma_start3A_16 = arith.constant 0 : i32
      %dma_start3A_17 = tpu.memref_slice %arg9[%dma_start3A_16] : memref<16xf32, #tpu.memory_space<vmem>> -> memref<1xf32, #tpu.memory_space<vmem>>
      tpu.enqueue_dma source(%arg4 : memref<1xf32, #tpu.memory_space<hbm>>) target(%dma_start3A_17 : memref<1xf32, #tpu.memory_space<vmem>>) target_semaphore(%run_scoped3A : memref<!tpu.dma_semaphore, #tpu.memory_space<semaphore_mem>>)
      %dma_wait3A = arith.constant 0 : i32
      %dma_wait3A_18 = tpu.memref_slice %arg9[%dma_wait3A] : memref<16xf32, #tpu.memory_space<vmem>> -> memref<1xf32, #tpu.memory_space<vmem>>
      %dma_wait3A_19 = arith.constant 0 : i32
      %dma_wait3A_20 = tpu.memref_slice %arg9[%dma_wait3A_19] : memref<16xf32, #tpu.memory_space<vmem>> -> memref<1xf32, #tpu.memory_space<vmem>>
      tpu.wait_dma2 semaphore(%run_scoped3A : memref<!tpu.dma_semaphore, #tpu.memory_space<semaphore_mem>>) src(%arg4 : memref<1xf32, #tpu.memory_space<hbm>>) dst(%dma_wait3A_20 : memref<1xf32, #tpu.memory_space<vmem>>)
      tpu.yield
    }) : () -> ()
    %broadcast_in_dim3A = arith.constant 0 : i32
    %broadcast_in_dim3A_3 = vector.broadcast %broadcast_in_dim3A : i32 to vector<16xi32>
    %gather3A = tpu.vector_load_idx %arg9[%broadcast_in_dim3A_3] : memref<16xf32, #tpu.memory_space<vmem>>[vector<16xi32>], vector<16xf32>,
    %iota3A = tpu.iota {dimensions = array<i32: 0>} : vector<16xi32>
    %scan3A = arith.constant 0 : i32
    %scan3A_4 = arith.constant 0 : i32
    %scan3A_5 = arith.constant 8 : i32
    %scan3A_6 = arith.addi %scan3A_4, %scan3A_5 : i32
    %scan3A_7 = arith.constant 1 : i32
    scf.for %scan3A_15 = %scan3A_4 to %scan3A_6 step %scan3A_7  : i32 {
      %mul3A_16 = arith.constant 13 : i32
      %mul3A_17 = arith.muli %scan3A_15, %mul3A_16 : i32
      %add3A_18 = arith.constant 0 : i32
      %add3A_19 = arith.addi %mul3A_17, %add3A_18 : i32
      %mul3A_20 = arith.constant 128 : i32
      %mul3A_21 = arith.muli %add3A_19, %mul3A_20 : i32
      %dma_start3A = tpu.memref_slice %arg7[%mul3A_21] : memref<13312xf32, #tpu.memory_space<vmem>> -> memref<128xf32, #tpu.memory_space<vmem>>
      %dma_start3A_22 = arith.constant 0 : i32
      %dma_start3A_23 = tpu.memref_slice %arg6[%add3A_19, %dma_start3A_22] : memref<104x128xi32, #tpu.memory_space<vmem>> -> memref<1x128xi32, #tpu.memory_space<vmem>>
      %dma_start3A_24 = tpu.memref_squeeze %dma_start3A_23 : memref<1x128xi32, #tpu.memory_space<vmem>> -> memref<128xi32, #tpu.memory_space<vmem>>
      %dma_start3A_25 = arith.constant 0 : i32
      %dma_start3A_26 = tpu.memref_slice %arg3[%dma_start3A_25] : memref<1000000xf32, #tpu.memory_space<hbm>> -> memref<1000000xf32, #tpu.memory_space<hbm>>
      tpu.enqueue_indirect_dma source(%dma_start3A_26 : memref<1000000xf32, #tpu.memory_space<hbm>>) target(%dma_start3A : memref<128xf32, #tpu.memory_space<vmem>>) offsets(%dma_start3A_24 : memref<128xi32, #tpu.memory_space<vmem>>) semaphore(%arg10 : memref<!tpu.dma_semaphore, #tpu.memory_space<semaphore_mem>>)
      %mul3A_27 = arith.constant 13 : i32
      %mul3A_28 = arith.muli %scan3A_15, %mul3A_27 : i32
      %add3A_29 = arith.constant 1 : i32
      %add3A_30 = arith.addi %mul3A_28, %add3A_29 : i32
      %mul3A_31 = arith.constant 128 : i32
      %mul3A_32 = arith.muli %add3A_30, %mul3A_31 : i32
      %dma_start3A_33 = tpu.memref_slice %arg7[%mul3A_32] : memref<13312xf32, #tpu.memory_space<vmem>> -> memref<128xf32, #tpu.memory_space<vmem>>
      %dma_start3A_34 = arith.constant 0 : i32
      %dma_start3A_35 = tpu.memref_slice %arg6[%add3A_30, %dma_start3A_34] : memref<104x128xi32, #tpu.memory_space<vmem>> -> memref<1x128xi32, #tpu.memory_space<vmem>>
      %dma_start3A_36 = tpu.memref_squeeze %dma_start3A_35 : memref<1x128xi32, #tpu.memory_space<vmem>> -> memref<128xi32, #tpu.memory_space<vmem>>
      %dma_start3A_37 = arith.constant 0 : i32
      %dma_start3A_38 = tpu.memref_slice %arg3[%dma_start3A_37] : memref<1000000xf32, #tpu.memory_space<hbm>> -> memref<1000000xf32, #tpu.memory_space<hbm>>
      tpu.enqueue_indirect_dma source(%dma_start3A_38 : memref<1000000xf32, #tpu.memory_space<hbm>>) target(%dma_start3A_33 : memref<128xf32, #tpu.memory_space<vmem>>) offsets(%dma_start3A_36 : memref<128xi32, #tpu.memory_space<vmem>>) semaphore(%arg10 : memref<!tpu.dma_semaphore, #tpu.memory_space<semaphore_mem>>)
      %mul3A_39 = arith.constant 13 : i32
      %mul3A_40 = arith.muli %scan3A_15, %mul3A_39 : i32
      %add3A_41 = arith.constant 2 : i32
      %add3A_42 = arith.addi %mul3A_40, %add3A_41 : i32
      %mul3A_43 = arith.constant 128 : i32
      %mul3A_44 = arith.muli %add3A_42, %mul3A_43 : i32
      %dma_start3A_45 = tpu.memref_slice %arg7[%mul3A_44] : memref<13312xf32, #tpu.memory_space<vmem>> -> memref<128xf32, #tpu.memory_space<vmem>>
      %dma_start3A_46 = arith.constant 0 : i32
      %dma_start3A_47 = tpu.memref_slice %arg6[%add3A_42, %dma_start3A_46] : memref<104x128xi32, #tpu.memory_space<vmem>> -> memref<1x128xi32, #tpu.memory_space<vmem>>
      %dma_start3A_48 = tpu.memref_squeeze %dma_start3A_47 : memref<1x128xi32, #tpu.memory_space<vmem>> -> memref<128xi32, #tpu.memory_space<vmem>>
      %dma_start3A_49 = arith.constant 0 : i32
      %dma_start3A_50 = tpu.memref_slice %arg3[%dma_start3A_49] : memref<1000000xf32, #tpu.memory_space<hbm>> -> memref<1000000xf32, #tpu.memory_space<hbm>>
      tpu.enqueue_indirect_dma source(%dma_start3A_50 : memref<1000000xf32, #tpu.memory_space<hbm>>) target(%dma_start3A_45 : memref<128xf32, #tpu.memory_space<vmem>>) offsets(%dma_start3A_48 : memref<128xi32, #tpu.memory_space<vmem>>) semaphore(%arg10 : memref<!tpu.dma_semaphore, #tpu.memory_space<semaphore_mem>>)
      %mul3A_51 = arith.constant 13 : i32
      %mul3A_52 = arith.muli %scan3A_15, %mul3A_51 : i32
      %add3A_53 = arith.constant 3 : i32
      %add3A_54 = arith.addi %mul3A_52, %add3A_53 : i32
      %mul3A_55 = arith.constant 128 : i32
      %mul3A_56 = arith.muli %add3A_54, %mul3A_55 : i32
      %dma_start3A_57 = tpu.memref_slice %arg7[%mul3A_56] : memref<13312xf32, #tpu.memory_space<vmem>> -> memref<128xf32, #tpu.memory_space<vmem>>
      %dma_start3A_58 = arith.constant 0 : i32
      %dma_start3A_59 = tpu.memref_slice %arg6[%add3A_54, %dma_start3A_58] : memref<104x128xi32, #tpu.memory_space<vmem>> -> memref<1x128xi32, #tpu.memory_space<vmem>>
      %dma_start3A_60 = tpu.memref_squeeze %dma_start3A_59 : memref<1x128xi32, #tpu.memory_space<vmem>> -> memref<128xi32, #tpu.memory_space<vmem>>
      %dma_start3A_61 = arith.constant 0 : i32
      %dma_start3A_62 = tpu.memref_slice %arg3[%dma_start3A_61] : memref<1000000xf32, #tpu.memory_space<hbm>> -> memref<1000000xf32, #tpu.memory_space<hbm>>
      tpu.enqueue_indirect_dma source(%dma_start3A_62 : memref<1000000xf32, #tpu.memory_space<hbm>>) target(%dma_start3A_57 : memref<128xf32, #tpu.memory_space<vmem>>) offsets(%dma_start3A_60 : memref<128xi32, #tpu.memory_space<vmem>>) semaphore(%arg10 : memref<!tpu.dma_semaphore, #tpu.memory_space<semaphore_mem>>)
      %mul3A_63 = arith.constant 13 : i32
      %mul3A_64 = arith.muli %scan3A_15, %mul3A_63 : i32
      %add3A_65 = arith.constant 4 : i32
      %add3A_66 = arith.addi %mul3A_64, %add3A_65 : i32
      %mul3A_67 = arith.constant 128 : i32
      %mul3A_68 = arith.muli %add3A_66, %mul3A_67 : i32
      %dma_start3A_69 = tpu.memref_slice %arg7[%mul3A_68] : memref<13312xf32, #tpu.memory_space<vmem>> -> memref<128xf32, #tpu.memory_space<vmem>>
      %dma_start3A_70 = arith.constant 0 : i32
      %dma_start3A_71 = tpu.memref_slice %arg6[%add3A_66, %dma_start3A_70] : memref<104x128xi32, #tpu.memory_space<vmem>> -> memref<1x128xi32, #tpu.memory_space<vmem>>
      %dma_start3A_72 = tpu.memref_squeeze %dma_start3A_71 : memref<1x128xi32, #tpu.memory_space<vmem>> -> memref<128xi32, #tpu.memory_space<vmem>>
      %dma_start3A_73 = arith.constant 0 : i32
      %dma_start3A_74 = tpu.memref_slice %arg3[%dma_start3A_73] : memref<1000000xf32, #tpu.memory_space<hbm>> -> memref<1000000xf32, #tpu.memory_space<hbm>>
      tpu.enqueue_indirect_dma source(%dma_start3A_74 : memref<1000000xf32, #tpu.memory_space<hbm>>) target(%dma_start3A_69 : memref<128xf32, #tpu.memory_space<vmem>>) offsets(%dma_start3A_72 : memref<128xi32, #tpu.memory_space<vmem>>) semaphore(%arg10 : memref<!tpu.dma_semaphore, #tpu.memory_space<semaphore_mem>>)
      %mul3A_75 = arith.constant 13 : i32
      %mul3A_76 = arith.muli %scan3A_15, %mul3A_75 : i32
      %add3A_77 = arith.constant 5 : i32
      %add3A_78 = arith.addi %mul3A_76, %add3A_77 : i32
      %mul3A_79 = arith.constant 128 : i32
      %mul3A_80 = arith.muli %add3A_78, %mul3A_79 : i32
      %dma_start3A_81 = tpu.memref_slice %arg7[%mul3A_80] : memref<13312xf32, #tpu.memory_space<vmem>> -> memref<128xf32, #tpu.memory_space<vmem>>
      %dma_start3A_82 = arith.constant 0 : i32
      %dma_start3A_83 = tpu.memref_slice %arg6[%add3A_78, %dma_start3A_82] : memref<104x128xi32, #tpu.memory_space<vmem>> -> memref<1x128xi32, #tpu.memory_space<vmem>>
      %dma_start3A_84 = tpu.memref_squeeze %dma_start3A_83 : memref<1x128xi32, #tpu.memory_space<vmem>> -> memref<128xi32, #tpu.memory_space<vmem>>
      %dma_start3A_85 = arith.constant 0 : i32
      %dma_start3A_86 = tpu.memref_slice %arg3[%dma_start3A_85] : memref<1000000xf32, #tpu.memory_space<hbm>> -> memref<1000000xf32, #tpu.memory_space<hbm>>
      tpu.enqueue_indirect_dma source(%dma_start3A_86 : memref<1000000xf32, #tpu.memory_space<hbm>>) target(%dma_start3A_81 : memref<128xf32, #tpu.memory_space<vmem>>) offsets(%dma_start3A_84 : memref<128xi32, #tpu.memory_space<vmem>>) semaphore(%arg10 : memref<!tpu.dma_semaphore, #tpu.memory_space<semaphore_mem>>)
      %mul3A_87 = arith.constant 13 : i32
      %mul3A_88 = arith.muli %scan3A_15, %mul3A_87 : i32
      %add3A_89 = arith.constant 6 : i32
      %add3A_90 = arith.addi %mul3A_88, %add3A_89 : i32
      %mul3A_91 = arith.constant 128 : i32
      %mul3A_92 = arith.muli %add3A_90, %mul3A_91 : i32
      %dma_start3A_93 = tpu.memref_slice %arg7[%mul3A_92] : memref<13312xf32, #tpu.memory_space<vmem>> -> memref<128xf32, #tpu.memory_space<vmem>>
      %dma_start3A_94 = arith.constant 0 : i32
      %dma_start3A_95 = tpu.memref_slice %arg6[%add3A_90, %dma_start3A_94] : memref<104x128xi32, #tpu.memory_space<vmem>> -> memref<1x128xi32, #tpu.memory_space<vmem>>
      %dma_start3A_96 = tpu.memref_squeeze %dma_start3A_95 : memref<1x128xi32, #tpu.memory_space<vmem>> -> memref<128xi32, #tpu.memory_space<vmem>>
      %dma_start3A_97 = arith.constant 0 : i32
      %dma_start3A_98 = tpu.memref_slice %arg3[%dma_start3A_97] : memref<1000000xf32, #tpu.memory_space<hbm>> -> memref<1000000xf32, #tpu.memory_space<hbm>>
      tpu.enqueue_indirect_dma source(%dma_start3A_98 : memref<1000000xf32, #tpu.memory_space<hbm>>) target(%dma_start3A_93 : memref<128xf32, #tpu.memory_space<vmem>>) offsets(%dma_start3A_96 : memref<128xi32, #tpu.memory_space<vmem>>) semaphore(%arg10 : memref<!tpu.dma_semaphore, #tpu.memory_space<semaphore_mem>>)
      %mul3A_99 = arith.constant 13 : i32
      %mul3A_100 = arith.muli %scan3A_15, %mul3A_99 : i32
      %add3A_101 = arith.constant 7 : i32
      %add3A_102 = arith.addi %mul3A_100, %add3A_101 : i32
      %mul3A_103 = arith.constant 128 : i32
      %mul3A_104 = arith.muli %add3A_102, %mul3A_103 : i32
      %dma_start3A_105 = tpu.memref_slice %arg7[%mul3A_104] : memref<13312xf32, #tpu.memory_space<vmem>> -> memref<128xf32, #tpu.memory_space<vmem>>
      %dma_start3A_106 = arith.constant 0 : i32
      %dma_start3A_107 = tpu.memref_slice %arg6[%add3A_102, %dma_start3A_106] : memref<104x128xi32, #tpu.memory_space<vmem>> -> memref<1x128xi32, #tpu.memory_space<vmem>>
      %dma_start3A_108 = tpu.memref_squeeze %dma_start3A_107 : memref<1x128xi32, #tpu.memory_space<vmem>> -> memref<128xi32, #tpu.memory_space<vmem>>
      %dma_start3A_109 = arith.constant 0 : i32
      %dma_start3A_110 = tpu.memref_slice %arg3[%dma_start3A_109] : memref<1000000xf32, #tpu.memory_space<hbm>> -> memref<1000000xf32, #tpu.memory_space<hbm>>
      tpu.enqueue_indirect_dma source(%dma_start3A_110 : memref<1000000xf32, #tpu.memory_space<hbm>>) target(%dma_start3A_105 : memref<128xf32, #tpu.memory_space<vmem>>) offsets(%dma_start3A_108 : memref<128xi32, #tpu.memory_space<vmem>>) semaphore(%arg10 : memref<!tpu.dma_semaphore, #tpu.memory_space<semaphore_mem>>)
      %mul3A_111 = arith.constant 13 : i32
      %mul3A_112 = arith.muli %scan3A_15, %mul3A_111 : i32
      %add3A_113 = arith.constant 8 : i32
      %add3A_114 = arith.addi %mul3A_112, %add3A_113 : i32
      %mul3A_115 = arith.constant 128 : i32
      %mul3A_116 = arith.muli %add3A_114, %mul3A_115 : i32
      %dma_start3A_117 = tpu.memref_slice %arg7[%mul3A_116] : memref<13312xf32, #tpu.memory_space<vmem>> -> memref<128xf32, #tpu.memory_space<vmem>>
      %dma_start3A_118 = arith.constant 0 : i32
      %dma_start3A_119 = tpu.memref_slice %arg6[%add3A_114, %dma_start3A_118] : memref<104x128xi32, #tpu.memory_space<vmem>> -> memref<1x128xi32, #tpu.memory_space<vmem>>
      %dma_start3A_120 = tpu.memref_squeeze %dma_start3A_119 : memref<1x128xi32, #tpu.memory_space<vmem>> -> memref<128xi32, #tpu.memory_space<vmem>>
      %dma_start3A_121 = arith.constant 0 : i32
      %dma_start3A_122 = tpu.memref_slice %arg3[%dma_start3A_121] : memref<1000000xf32, #tpu.memory_space<hbm>> -> memref<1000000xf32, #tpu.memory_space<hbm>>
      tpu.enqueue_indirect_dma source(%dma_start3A_122 : memref<1000000xf32, #tpu.memory_space<hbm>>) target(%dma_start3A_117 : memref<128xf32, #tpu.memory_space<vmem>>) offsets(%dma_start3A_120 : memref<128xi32, #tpu.memory_space<vmem>>) semaphore(%arg10 : memref<!tpu.dma_semaphore, #tpu.memory_space<semaphore_mem>>)
      %mul3A_123 = arith.constant 13 : i32
      %mul3A_124 = arith.muli %scan3A_15, %mul3A_123 : i32
      %add3A_125 = arith.constant 9 : i32
      %add3A_126 = arith.addi %mul3A_124, %add3A_125 : i32
      %mul3A_127 = arith.constant 128 : i32
      %mul3A_128 = arith.muli %add3A_126, %mul3A_127 : i32
      %dma_start3A_129 = tpu.memref_slice %arg7[%mul3A_128] : memref<13312xf32, #tpu.memory_space<vmem>> -> memref<128xf32, #tpu.memory_space<vmem>>
      %dma_start3A_130 = arith.constant 0 : i32
      %dma_start3A_131 = tpu.memref_slice %arg6[%add3A_126, %dma_start3A_130] : memref<104x128xi32, #tpu.memory_space<vmem>> -> memref<1x128xi32, #tpu.memory_space<vmem>>
      %dma_start3A_132 = tpu.memref_squeeze %dma_start3A_131 : memref<1x128xi32, #tpu.memory_space<vmem>> -> memref<128xi32, #tpu.memory_space<vmem>>
      %dma_start3A_133 = arith.constant 0 : i32
      %dma_start3A_134 = tpu.memref_slice %arg3[%dma_start3A_133] : memref<1000000xf32, #tpu.memory_space<hbm>> -> memref<1000000xf32, #tpu.memory_space<hbm>>
      tpu.enqueue_indirect_dma source(%dma_start3A_134 : memref<1000000xf32, #tpu.memory_space<hbm>>) target(%dma_start3A_129 : memref<128xf32, #tpu.memory_space<vmem>>) offsets(%dma_start3A_132 : memref<128xi32, #tpu.memory_space<vmem>>) semaphore(%arg10 : memref<!tpu.dma_semaphore, #tpu.memory_space<semaphore_mem>>)
      %mul3A_135 = arith.constant 13 : i32
      %mul3A_136 = arith.muli %scan3A_15, %mul3A_135 : i32
      %add3A_137 = arith.constant 10 : i32
      %add3A_138 = arith.addi %mul3A_136, %add3A_137 : i32
      %mul3A_139 = arith.constant 128 : i32
      %mul3A_140 = arith.muli %add3A_138, %mul3A_139 : i32
      %dma_start3A_141 = tpu.memref_slice %arg7[%mul3A_140] : memref<13312xf32, #tpu.memory_space<vmem>> -> memref<128xf32, #tpu.memory_space<vmem>>
      %dma_start3A_142 = arith.constant 0 : i32
      %dma_start3A_143 = tpu.memref_slice %arg6[%add3A_138, %dma_start3A_142] : memref<104x128xi32, #tpu.memory_space<vmem>> -> memref<1x128xi32, #tpu.memory_space<vmem>>
      %dma_start3A_144 = tpu.memref_squeeze %dma_start3A_143 : memref<1x128xi32, #tpu.memory_space<vmem>> -> memref<128xi32, #tpu.memory_space<vmem>>
      %dma_start3A_145 = arith.constant 0 : i32
      %dma_start3A_146 = tpu.memref_slice %arg3[%dma_start3A_145] : memref<1000000xf32, #tpu.memory_space<hbm>> -> memref<1000000xf32, #tpu.memory_space<hbm>>
      tpu.enqueue_indirect_dma source(%dma_start3A_146 : memref<1000000xf32, #tpu.memory_space<hbm>>) target(%dma_start3A_141 : memref<128xf32, #tpu.memory_space<vmem>>) offsets(%dma_start3A_144 : memref<128xi32, #tpu.memory_space<vmem>>) semaphore(%arg10 : memref<!tpu.dma_semaphore, #tpu.memory_space<semaphore_mem>>)
      %mul3A_147 = arith.constant 13 : i32
      %mul3A_148 = arith.muli %scan3A_15, %mul3A_147 : i32
      %add3A_149 = arith.constant 11 : i32
      %add3A_150 = arith.addi %mul3A_148, %add3A_149 : i32
      %mul3A_151 = arith.constant 128 : i32
      %mul3A_152 = arith.muli %add3A_150, %mul3A_151 : i32
      %dma_start3A_153 = tpu.memref_slice %arg7[%mul3A_152] : memref<13312xf32, #tpu.memory_space<vmem>> -> memref<128xf32, #tpu.memory_space<vmem>>
      %dma_start3A_154 = arith.constant 0 : i32
      %dma_start3A_155 = tpu.memref_slice %arg6[%add3A_150, %dma_start3A_154] : memref<104x128xi32, #tpu.memory_space<vmem>> -> memref<1x128xi32, #tpu.memory_space<vmem>>
      %dma_start3A_156 = tpu.memref_squeeze %dma_start3A_155 : memref<1x128xi32, #tpu.memory_space<vmem>> -> memref<128xi32, #tpu.memory_space<vmem>>
      %dma_start3A_157 = arith.constant 0 : i32
      %dma_start3A_158 = tpu.memref_slice %arg3[%dma_start3A_157] : memref<1000000xf32, #tpu.memory_space<hbm>> -> memref<1000000xf32, #tpu.memory_space<hbm>>
      tpu.enqueue_indirect_dma source(%dma_start3A_158 : memref<1000000xf32, #tpu.memory_space<hbm>>) target(%dma_start3A_153 : memref<128xf32, #tpu.memory_space<vmem>>) offsets(%dma_start3A_156 : memref<128xi32, #tpu.memory_space<vmem>>) semaphore(%arg10 : memref<!tpu.dma_semaphore, #tpu.memory_space<semaphore_mem>>)
      %mul3A_159 = arith.constant 13 : i32
      %mul3A_160 = arith.muli %scan3A_15, %mul3A_159 : i32
      %add3A_161 = arith.constant 12 : i32
      %add3A_162 = arith.addi %mul3A_160, %add3A_161 : i32
      %mul3A_163 = arith.constant 128 : i32
      %mul3A_164 = arith.muli %add3A_162, %mul3A_163 : i32
      %dma_start3A_165 = tpu.memref_slice %arg7[%mul3A_164] : memref<13312xf32, #tpu.memory_space<vmem>> -> memref<128xf32, #tpu.memory_space<vmem>>
      %dma_start3A_166 = arith.constant 0 : i32
      %dma_start3A_167 = tpu.memref_slice %arg6[%add3A_162, %dma_start3A_166] : memref<104x128xi32, #tpu.memory_space<vmem>> -> memref<1x128xi32, #tpu.memory_space<vmem>>
      %dma_start3A_168 = tpu.memref_squeeze %dma_start3A_167 : memref<1x128xi32, #tpu.memory_space<vmem>> -> memref<128xi32, #tpu.memory_space<vmem>>
      %dma_start3A_169 = arith.constant 0 : i32
      %dma_start3A_170 = tpu.memref_slice %arg3[%dma_start3A_169] : memref<1000000xf32, #tpu.memory_space<hbm>> -> memref<1000000xf32, #tpu.memory_space<hbm>>
      tpu.enqueue_indirect_dma source(%dma_start3A_170 : memref<1000000xf32, #tpu.memory_space<hbm>>) target(%dma_start3A_165 : memref<128xf32, #tpu.memory_space<vmem>>) offsets(%dma_start3A_168 : memref<128xi32, #tpu.memory_space<vmem>>) semaphore(%arg10 : memref<!tpu.dma_semaphore, #tpu.memory_space<semaphore_mem>>)
      %dma_wait3A = tpu.memref_slice %arg7[%mul3A_21] : memref<13312xf32, #tpu.memory_space<vmem>> -> memref<128xf32, #tpu.memory_space<vmem>>
      %dma_wait3A_171 = arith.constant 0 : i32
      %dma_wait3A_172 = tpu.memref_slice %arg6[%add3A_19, %dma_wait3A_171] : memref<104x128xi32, #tpu.memory_space<vmem>> -> memref<1x128xi32, #tpu.memory_space<vmem>>
      %dma_wait3A_173 = tpu.memref_squeeze %dma_wait3A_172 : memref<1x128xi32, #tpu.memory_space<vmem>> -> memref<128xi32, #tpu.memory_space<vmem>>
      %dma_wait3A_174 = arith.constant 0 : i32
      %dma_wait3A_175 = tpu.memref_slice %arg3[%dma_wait3A_174] : memref<1000000xf32, #tpu.memory_space<hbm>> -> memref<1000000xf32, #tpu.memory_space<hbm>>
      tpu.wait_indirect_dma semaphore(%arg10 : memref<!tpu.dma_semaphore, #tpu.memory_space<semaphore_mem>>) src(%dma_wait3A_175 : memref<1000000xf32, #tpu.memory_space<hbm>>) dst(%dma_wait3A : memref<128xf32, #tpu.memory_space<vmem>>)
      %dma_wait3A_176 = tpu.memref_slice %arg7[%mul3A_32] : memref<13312xf32, #tpu.memory_space<vmem>> -> memref<128xf32, #tpu.memory_space<vmem>>
      %dma_wait3A_177 = arith.constant 0 : i32
      %dma_wait3A_178 = tpu.memref_slice %arg6[%add3A_30, %dma_wait3A_177] : memref<104x128xi32, #tpu.memory_space<vmem>> -> memref<1x128xi32, #tpu.memory_space<vmem>>
      %dma_wait3A_179 = tpu.memref_squeeze %dma_wait3A_178 : memref<1x128xi32, #tpu.memory_space<vmem>> -> memref<128xi32, #tpu.memory_space<vmem>>
      %dma_wait3A_180 = arith.constant 0 : i32
      %dma_wait3A_181 = tpu.memref_slice %arg3[%dma_wait3A_180] : memref<1000000xf32, #tpu.memory_space<hbm>> -> memref<1000000xf32, #tpu.memory_space<hbm>>
      tpu.wait_indirect_dma semaphore(%arg10 : memref<!tpu.dma_semaphore, #tpu.memory_space<semaphore_mem>>) src(%dma_wait3A_181 : memref<1000000xf32, #tpu.memory_space<hbm>>) dst(%dma_wait3A_176 : memref<128xf32, #tpu.memory_space<vmem>>)
      %dma_wait3A_182 = tpu.memref_slice %arg7[%mul3A_44] : memref<13312xf32, #tpu.memory_space<vmem>> -> memref<128xf32, #tpu.memory_space<vmem>>
      %dma_wait3A_183 = arith.constant 0 : i32
      %dma_wait3A_184 = tpu.memref_slice %arg6[%add3A_42, %dma_wait3A_183] : memref<104x128xi32, #tpu.memory_space<vmem>> -> memref<1x128xi32, #tpu.memory_space<vmem>>
      %dma_wait3A_185 = tpu.memref_squeeze %dma_wait3A_184 : memref<1x128xi32, #tpu.memory_space<vmem>> -> memref<128xi32, #tpu.memory_space<vmem>>
      %dma_wait3A_186 = arith.constant 0 : i32
      %dma_wait3A_187 = tpu.memref_slice %arg3[%dma_wait3A_186] : memref<1000000xf32, #tpu.memory_space<hbm>> -> memref<1000000xf32, #tpu.memory_space<hbm>>
      tpu.wait_indirect_dma semaphore(%arg10 : memref<!tpu.dma_semaphore, #tpu.memory_space<semaphore_mem>>) src(%dma_wait3A_187 : memref<1000000xf32, #tpu.memory_space<hbm>>) dst(%dma_wait3A_182 : memref<128xf32, #tpu.memory_space<vmem>>)
      %dma_wait3A_188 = tpu.memref_slice %arg7[%mul3A_56] : memref<13312xf32, #tpu.memory_space<vmem>> -> memref<128xf32, #tpu.memory_space<vmem>>
      %dma_wait3A_189 = arith.constant 0 : i32
      %dma_wait3A_190 = tpu.memref_slice %arg6[%add3A_54, %dma_wait3A_189] : memref<104x128xi32, #tpu.memory_space<vmem>> -> memref<1x128xi32, #tpu.memory_space<vmem>>
      %dma_wait3A_191 = tpu.memref_squeeze %dma_wait3A_190 : memref<1x128xi32, #tpu.memory_space<vmem>> -> memref<128xi32, #tpu.memory_space<vmem>>
      %dma_wait3A_192 = arith.constant 0 : i32
      %dma_wait3A_193 = tpu.memref_slice %arg3[%dma_wait3A_192] : memref<1000000xf32, #tpu.memory_space<hbm>> -> memref<1000000xf32, #tpu.memory_space<hbm>>
      tpu.wait_indirect_dma semaphore(%arg10 : memref<!tpu.dma_semaphore, #tpu.memory_space<semaphore_mem>>) src(%dma_wait3A_193 : memref<1000000xf32, #tpu.memory_space<hbm>>) dst(%dma_wait3A_188 : memref<128xf32, #tpu.memory_space<vmem>>)
      %dma_wait3A_194 = tpu.memref_slice %arg7[%mul3A_68] : memref<13312xf32, #tpu.memory_space<vmem>> -> memref<128xf32, #tpu.memory_space<vmem>>
      %dma_wait3A_195 = arith.constant 0 : i32
      %dma_wait3A_196 = tpu.memref_slice %arg6[%add3A_66, %dma_wait3A_195] : memref<104x128xi32, #tpu.memory_space<vmem>> -> memref<1x128xi32, #tpu.memory_space<vmem>>
      %dma_wait3A_197 = tpu.memref_squeeze %dma_wait3A_196 : memref<1x128xi32, #tpu.memory_space<vmem>> -> memref<128xi32, #tpu.memory_space<vmem>>
      %dma_wait3A_198 = arith.constant 0 : i32
      %dma_wait3A_199 = tpu.memref_slice %arg3[%dma_wait3A_198] : memref<1000000xf32, #tpu.memory_space<hbm>> -> memref<1000000xf32, #tpu.memory_space<hbm>>
      tpu.wait_indirect_dma semaphore(%arg10 : memref<!tpu.dma_semaphore, #tpu.memory_space<semaphore_mem>>) src(%dma_wait3A_199 : memref<1000000xf32, #tpu.memory_space<hbm>>) dst(%dma_wait3A_194 : memref<128xf32, #tpu.memory_space<vmem>>)
      %dma_wait3A_200 = tpu.memref_slice %arg7[%mul3A_80] : memref<13312xf32, #tpu.memory_space<vmem>> -> memref<128xf32, #tpu.memory_space<vmem>>
      %dma_wait3A_201 = arith.constant 0 : i32
      %dma_wait3A_202 = tpu.memref_slice %arg6[%add3A_78, %dma_wait3A_201] : memref<104x128xi32, #tpu.memory_space<vmem>> -> memref<1x128xi32, #tpu.memory_space<vmem>>
      %dma_wait3A_203 = tpu.memref_squeeze %dma_wait3A_202 : memref<1x128xi32, #tpu.memory_space<vmem>> -> memref<128xi32, #tpu.memory_space<vmem>>
      %dma_wait3A_204 = arith.constant 0 : i32
      %dma_wait3A_205 = tpu.memref_slice %arg3[%dma_wait3A_204] : memref<1000000xf32, #tpu.memory_space<hbm>> -> memref<1000000xf32, #tpu.memory_space<hbm>>
      tpu.wait_indirect_dma semaphore(%arg10 : memref<!tpu.dma_semaphore, #tpu.memory_space<semaphore_mem>>) src(%dma_wait3A_205 : memref<1000000xf32, #tpu.memory_space<hbm>>) dst(%dma_wait3A_200 : memref<128xf32, #tpu.memory_space<vmem>>)
      %dma_wait3A_206 = tpu.memref_slice %arg7[%mul3A_92] : memref<13312xf32, #tpu.memory_space<vmem>> -> memref<128xf32, #tpu.memory_space<vmem>>
      %dma_wait3A_207 = arith.constant 0 : i32
      %dma_wait3A_208 = tpu.memref_slice %arg6[%add3A_90, %dma_wait3A_207] : memref<104x128xi32, #tpu.memory_space<vmem>> -> memref<1x128xi32, #tpu.memory_space<vmem>>
      %dma_wait3A_209 = tpu.memref_squeeze %dma_wait3A_208 : memref<1x128xi32, #tpu.memory_space<vmem>> -> memref<128xi32, #tpu.memory_space<vmem>>
      %dma_wait3A_210 = arith.constant 0 : i32
      %dma_wait3A_211 = tpu.memref_slice %arg3[%dma_wait3A_210] : memref<1000000xf32, #tpu.memory_space<hbm>> -> memref<1000000xf32, #tpu.memory_space<hbm>>
      tpu.wait_indirect_dma semaphore(%arg10 : memref<!tpu.dma_semaphore, #tpu.memory_space<semaphore_mem>>) src(%dma_wait3A_211 : memref<1000000xf32, #tpu.memory_space<hbm>>) dst(%dma_wait3A_206 : memref<128xf32, #tpu.memory_space<vmem>>)
      %dma_wait3A_212 = tpu.memref_slice %arg7[%mul3A_104] : memref<13312xf32, #tpu.memory_space<vmem>> -> memref<128xf32, #tpu.memory_space<vmem>>
      %dma_wait3A_213 = arith.constant 0 : i32
      %dma_wait3A_214 = tpu.memref_slice %arg6[%add3A_102, %dma_wait3A_213] : memref<104x128xi32, #tpu.memory_space<vmem>> -> memref<1x128xi32, #tpu.memory_space<vmem>>
      %dma_wait3A_215 = tpu.memref_squeeze %dma_wait3A_214 : memref<1x128xi32, #tpu.memory_space<vmem>> -> memref<128xi32, #tpu.memory_space<vmem>>
      %dma_wait3A_216 = arith.constant 0 : i32
      %dma_wait3A_217 = tpu.memref_slice %arg3[%dma_wait3A_216] : memref<1000000xf32, #tpu.memory_space<hbm>> -> memref<1000000xf32, #tpu.memory_space<hbm>>
      tpu.wait_indirect_dma semaphore(%arg10 : memref<!tpu.dma_semaphore, #tpu.memory_space<semaphore_mem>>) src(%dma_wait3A_217 : memref<1000000xf32, #tpu.memory_space<hbm>>) dst(%dma_wait3A_212 : memref<128xf32, #tpu.memory_space<vmem>>)
      %dma_wait3A_218 = tpu.memref_slice %arg7[%mul3A_116] : memref<13312xf32, #tpu.memory_space<vmem>> -> memref<128xf32, #tpu.memory_space<vmem>>
      %dma_wait3A_219 = arith.constant 0 : i32
      %dma_wait3A_220 = tpu.memref_slice %arg6[%add3A_114, %dma_wait3A_219] : memref<104x128xi32, #tpu.memory_space<vmem>> -> memref<1x128xi32, #tpu.memory_space<vmem>>
      %dma_wait3A_221 = tpu.memref_squeeze %dma_wait3A_220 : memref<1x128xi32, #tpu.memory_space<vmem>> -> memref<128xi32, #tpu.memory_space<vmem>>
      %dma_wait3A_222 = arith.constant 0 : i32
      %dma_wait3A_223 = tpu.memref_slice %arg3[%dma_wait3A_222] : memref<1000000xf32, #tpu.memory_space<hbm>> -> memref<1000000xf32, #tpu.memory_space<hbm>>
      tpu.wait_indirect_dma semaphore(%arg10 : memref<!tpu.dma_semaphore, #tpu.memory_space<semaphore_mem>>) src(%dma_wait3A_223 : memref<1000000xf32, #tpu.memory_space<hbm>>) dst(%dma_wait3A_218 : memref<128xf32, #tpu.memory_space<vmem>>)
      %dma_wait3A_224 = tpu.memref_slice %arg7[%mul3A_128] : memref<13312xf32, #tpu.memory_space<vmem>> -> memref<128xf32, #tpu.memory_space<vmem>>
      %dma_wait3A_225 = arith.constant 0 : i32
      %dma_wait3A_226 = tpu.memref_slice %arg6[%add3A_126, %dma_wait3A_225] : memref<104x128xi32, #tpu.memory_space<vmem>> -> memref<1x128xi32, #tpu.memory_space<vmem>>
      %dma_wait3A_227 = tpu.memref_squeeze %dma_wait3A_226 : memref<1x128xi32, #tpu.memory_space<vmem>> -> memref<128xi32, #tpu.memory_space<vmem>>
      %dma_wait3A_228 = arith.constant 0 : i32
      %dma_wait3A_229 = tpu.memref_slice %arg3[%dma_wait3A_228] : memref<1000000xf32, #tpu.memory_space<hbm>> -> memref<1000000xf32, #tpu.memory_space<hbm>>
      tpu.wait_indirect_dma semaphore(%arg10 : memref<!tpu.dma_semaphore, #tpu.memory_space<semaphore_mem>>) src(%dma_wait3A_229 : memref<1000000xf32, #tpu.memory_space<hbm>>) dst(%dma_wait3A_224 : memref<128xf32, #tpu.memory_space<vmem>>)
      %dma_wait3A_230 = tpu.memref_slice %arg7[%mul3A_140] : memref<13312xf32, #tpu.memory_space<vmem>> -> memref<128xf32, #tpu.memory_space<vmem>>
      %dma_wait3A_231 = arith.constant 0 : i32
      %dma_wait3A_232 = tpu.memref_slice %arg6[%add3A_138, %dma_wait3A_231] : memref<104x128xi32, #tpu.memory_space<vmem>> -> memref<1x128xi32, #tpu.memory_space<vmem>>
      %dma_wait3A_233 = tpu.memref_squeeze %dma_wait3A_232 : memref<1x128xi32, #tpu.memory_space<vmem>> -> memref<128xi32, #tpu.memory_space<vmem>>
      %dma_wait3A_234 = arith.constant 0 : i32
      %dma_wait3A_235 = tpu.memref_slice %arg3[%dma_wait3A_234] : memref<1000000xf32, #tpu.memory_space<hbm>> -> memref<1000000xf32, #tpu.memory_space<hbm>>
      tpu.wait_indirect_dma semaphore(%arg10 : memref<!tpu.dma_semaphore, #tpu.memory_space<semaphore_mem>>) src(%dma_wait3A_235 : memref<1000000xf32, #tpu.memory_space<hbm>>) dst(%dma_wait3A_230 : memref<128xf32, #tpu.memory_space<vmem>>)
      %dma_wait3A_236 = tpu.memref_slice %arg7[%mul3A_152] : memref<13312xf32, #tpu.memory_space<vmem>> -> memref<128xf32, #tpu.memory_space<vmem>>
      %dma_wait3A_237 = arith.constant 0 : i32
      %dma_wait3A_238 = tpu.memref_slice %arg6[%add3A_150, %dma_wait3A_237] : memref<104x128xi32, #tpu.memory_space<vmem>> -> memref<1x128xi32, #tpu.memory_space<vmem>>
      %dma_wait3A_239 = tpu.memref_squeeze %dma_wait3A_238 : memref<1x128xi32, #tpu.memory_space<vmem>> -> memref<128xi32, #tpu.memory_space<vmem>>
      %dma_wait3A_240 = arith.constant 0 : i32
      %dma_wait3A_241 = tpu.memref_slice %arg3[%dma_wait3A_240] : memref<1000000xf32, #tpu.memory_space<hbm>> -> memref<1000000xf32, #tpu.memory_space<hbm>>
      tpu.wait_indirect_dma semaphore(%arg10 : memref<!tpu.dma_semaphore, #tpu.memory_space<semaphore_mem>>) src(%dma_wait3A_241 : memref<1000000xf32, #tpu.memory_space<hbm>>) dst(%dma_wait3A_236 : memref<128xf32, #tpu.memory_space<vmem>>)
      %dma_wait3A_242 = tpu.memref_slice %arg7[%mul3A_164] : memref<13312xf32, #tpu.memory_space<vmem>> -> memref<128xf32, #tpu.memory_space<vmem>>
      %dma_wait3A_243 = arith.constant 0 : i32
      %dma_wait3A_244 = tpu.memref_slice %arg6[%add3A_162, %dma_wait3A_243] : memref<104x128xi32, #tpu.memory_space<vmem>> -> memref<1x128xi32, #tpu.memory_space<vmem>>
      %dma_wait3A_245 = tpu.memref_squeeze %dma_wait3A_244 : memref<1x128xi32, #tpu.memory_space<vmem>> -> memref<128xi32, #tpu.memory_space<vmem>>
      %dma_wait3A_246 = arith.constant 0 : i32
      %dma_wait3A_247 = tpu.memref_slice %arg3[%dma_wait3A_246] : memref<1000000xf32, #tpu.memory_space<hbm>> -> memref<1000000xf32, #tpu.memory_space<hbm>>
      tpu.wait_indirect_dma semaphore(%arg10 : memref<!tpu.dma_semaphore, #tpu.memory_space<semaphore_mem>>) src(%dma_wait3A_247 : memref<1000000xf32, #tpu.memory_space<hbm>>) dst(%dma_wait3A_242 : memref<128xf32, #tpu.memory_space<vmem>>)
    }
    %scan3A_8 = arith.constant 8 : i32
    %scan3A_9 = arith.constant 0 : i32
    %scan3A_10 = arith.constant 0 : i32
    %scan3A_11 = arith.constant 32 : i32
    %scan3A_12 = arith.addi %scan3A_10, %scan3A_11 : i32
    %scan3A_13 = arith.constant 1 : i32
    scf.for %scan3A_15 = %scan3A_10 to %scan3A_12 step %scan3A_13  : i32 {
      %mul3A_16 = arith.constant 16 : i32
      %mul3A_17 = arith.muli %scan3A_15, %mul3A_16 : i32
      %add3A_18 = arith.constant 0 : i32
      %add3A_19 = arith.addi %mul3A_17, %add3A_18 : i32
      %add3A_20 = vector.broadcast %add3A_19 : i32 to vector<16xi32>
      %add3A_21 = arith.addi %iota3A, %add3A_20 : vector<16xi32>
      %gather3A_22 = tpu.vector_load_idx %arg7[%add3A_21] : memref<13312xf32, #tpu.memory_space<vmem>>[vector<16xi32>], vector<16xf32>,
      %add3A_23 = arith.addf %gather3A, %gather3A_22 : vector<16xf32>
      %add3A_24 = arith.constant 512 : i32
      %add3A_25 = arith.addi %mul3A_17, %add3A_24 : i32
      %add3A_26 = vector.broadcast %add3A_25 : i32 to vector<16xi32>
      %add3A_27 = arith.addi %iota3A, %add3A_26 : vector<16xi32>
      %gather3A_28 = tpu.vector_load_idx %arg7[%add3A_27] : memref<13312xf32, #tpu.memory_space<vmem>>[vector<16xi32>], vector<16xf32>,
      %add3A_29 = arith.addf %add3A_23, %gather3A_28 : vector<16xf32>
      %add3A_30 = arith.constant 1024 : i32
      %add3A_31 = arith.addi %mul3A_17, %add3A_30 : i32
      %add3A_32 = vector.broadcast %add3A_31 : i32 to vector<16xi32>
      %add3A_33 = arith.addi %iota3A, %add3A_32 : vector<16xi32>
      %gather3A_34 = tpu.vector_load_idx %arg7[%add3A_33] : memref<13312xf32, #tpu.memory_space<vmem>>[vector<16xi32>], vector<16xf32>,
      %add3A_35 = arith.addf %add3A_29, %gather3A_34 : vector<16xf32>
      %add3A_36 = arith.constant 1536 : i32
      %add3A_37 = arith.addi %mul3A_17, %add3A_36 : i32
      %add3A_38 = vector.broadcast %add3A_37 : i32 to vector<16xi32>
      %add3A_39 = arith.addi %iota3A, %add3A_38 : vector<16xi32>
      %gather3A_40 = tpu.vector_load_idx %arg7[%add3A_39] : memref<13312xf32, #tpu.memory_space<vmem>>[vector<16xi32>], vector<16xf32>,
      %add3A_41 = arith.addf %add3A_35, %gather3A_40 : vector<16xf32>
      %add3A_42 = arith.constant 2048 : i32
      %add3A_43 = arith.addi %mul3A_17, %add3A_42 : i32
      %add3A_44 = vector.broadcast %add3A_43 : i32 to vector<16xi32>
      %add3A_45 = arith.addi %iota3A, %add3A_44 : vector<16xi32>
      %gather3A_46 = tpu.vector_load_idx %arg7[%add3A_45] : memref<13312xf32, #tpu.memory_space<vmem>>[vector<16xi32>], vector<16xf32>,
      %add3A_47 = arith.addf %add3A_41, %gather3A_46 : vector<16xf32>
      %add3A_48 = arith.constant 2560 : i32
      %add3A_49 = arith.addi %mul3A_17, %add3A_48 : i32
      %add3A_50 = vector.broadcast %add3A_49 : i32 to vector<16xi32>
      %add3A_51 = arith.addi %iota3A, %add3A_50 : vector<16xi32>
      %gather3A_52 = tpu.vector_load_idx %arg7[%add3A_51] : memref<13312xf32, #tpu.memory_space<vmem>>[vector<16xi32>], vector<16xf32>,
      %add3A_53 = arith.addf %add3A_47, %gather3A_52 : vector<16xf32>
      %add3A_54 = arith.constant 3072 : i32
      %add3A_55 = arith.addi %mul3A_17, %add3A_54 : i32
      %add3A_56 = vector.broadcast %add3A_55 : i32 to vector<16xi32>
      %add3A_57 = arith.addi %iota3A, %add3A_56 : vector<16xi32>
      %gather3A_58 = tpu.vector_load_idx %arg7[%add3A_57] : memref<13312xf32, #tpu.memory_space<vmem>>[vector<16xi32>], vector<16xf32>,
      %add3A_59 = arith.addf %add3A_53, %gather3A_58 : vector<16xf32>
      %add3A_60 = arith.constant 3584 : i32
      %add3A_61 = arith.addi %mul3A_17, %add3A_60 : i32
      %add3A_62 = vector.broadcast %add3A_61 : i32 to vector<16xi32>
      %add3A_63 = arith.addi %iota3A, %add3A_62 : vector<16xi32>
      %gather3A_64 = tpu.vector_load_idx %arg7[%add3A_63] : memref<13312xf32, #tpu.memory_space<vmem>>[vector<16xi32>], vector<16xf32>,
      %add3A_65 = arith.addf %add3A_59, %gather3A_64 : vector<16xf32>
      %add3A_66 = arith.constant 4096 : i32
      %add3A_67 = arith.addi %mul3A_17, %add3A_66 : i32
      %add3A_68 = vector.broadcast %add3A_67 : i32 to vector<16xi32>
      %add3A_69 = arith.addi %iota3A, %add3A_68 : vector<16xi32>
      %gather3A_70 = tpu.vector_load_idx %arg7[%add3A_69] : memref<13312xf32, #tpu.memory_space<vmem>>[vector<16xi32>], vector<16xf32>,
      %add3A_71 = arith.addf %add3A_65, %gather3A_70 : vector<16xf32>
      %add3A_72 = arith.constant 4608 : i32
      %add3A_73 = arith.addi %mul3A_17, %add3A_72 : i32
      %add3A_74 = vector.broadcast %add3A_73 : i32 to vector<16xi32>
      %add3A_75 = arith.addi %iota3A, %add3A_74 : vector<16xi32>
      %gather3A_76 = tpu.vector_load_idx %arg7[%add3A_75] : memref<13312xf32, #tpu.memory_space<vmem>>[vector<16xi32>], vector<16xf32>,
      %add3A_77 = arith.addf %add3A_71, %gather3A_76 : vector<16xf32>
      %add3A_78 = arith.constant 5120 : i32
      %add3A_79 = arith.addi %mul3A_17, %add3A_78 : i32
      %add3A_80 = vector.broadcast %add3A_79 : i32 to vector<16xi32>
      %add3A_81 = arith.addi %iota3A, %add3A_80 : vector<16xi32>
      %gather3A_82 = tpu.vector_load_idx %arg7[%add3A_81] : memref<13312xf32, #tpu.memory_space<vmem>>[vector<16xi32>], vector<16xf32>,
      %add3A_83 = arith.addf %add3A_77, %gather3A_82 : vector<16xf32>
      %add3A_84 = arith.constant 5632 : i32
      %add3A_85 = arith.addi %mul3A_17, %add3A_84 : i32
      %add3A_86 = vector.broadcast %add3A_85 : i32 to vector<16xi32>
      %add3A_87 = arith.addi %iota3A, %add3A_86 : vector<16xi32>
      %gather3A_88 = tpu.vector_load_idx %arg7[%add3A_87] : memref<13312xf32, #tpu.memory_space<vmem>>[vector<16xi32>], vector<16xf32>,
      %add3A_89 = arith.addf %add3A_83, %gather3A_88 : vector<16xf32>
      %add3A_90 = arith.constant 6144 : i32
      %add3A_91 = arith.addi %mul3A_17, %add3A_90 : i32
      %add3A_92 = vector.broadcast %add3A_91 : i32 to vector<16xi32>
      %add3A_93 = arith.addi %iota3A, %add3A_92 : vector<16xi32>
      %gather3A_94 = tpu.vector_load_idx %arg7[%add3A_93] : memref<13312xf32, #tpu.memory_space<vmem>>[vector<16xi32>], vector<16xf32>,
      %add3A_95 = arith.addf %add3A_89, %gather3A_94 : vector<16xf32>
      %add3A_96 = arith.constant 6656 : i32
      %add3A_97 = arith.addi %mul3A_17, %add3A_96 : i32
      %add3A_98 = vector.broadcast %add3A_97 : i32 to vector<16xi32>
      %add3A_99 = arith.addi %iota3A, %add3A_98 : vector<16xi32>
      %gather3A_100 = tpu.vector_load_idx %arg7[%add3A_99] : memref<13312xf32, #tpu.memory_space<vmem>>[vector<16xi32>], vector<16xf32>,
      %add3A_101 = arith.addf %add3A_95, %gather3A_100 : vector<16xf32>
      %add3A_102 = arith.constant 7168 : i32
      %add3A_103 = arith.addi %mul3A_17, %add3A_102 : i32
      %add3A_104 = vector.broadcast %add3A_103 : i32 to vector<16xi32>
      %add3A_105 = arith.addi %iota3A, %add3A_104 : vector<16xi32>
      %gather3A_106 = tpu.vector_load_idx %arg7[%add3A_105] : memref<13312xf32, #tpu.memory_space<vmem>>[vector<16xi32>], vector<16xf32>,
      %add3A_107 = arith.addf %add3A_101, %gather3A_106 : vector<16xf32>
      %add3A_108 = arith.constant 7680 : i32
      %add3A_109 = arith.addi %mul3A_17, %add3A_108 : i32
      %add3A_110 = vector.broadcast %add3A_109 : i32 to vector<16xi32>
      %add3A_111 = arith.addi %iota3A, %add3A_110 : vector<16xi32>
      %gather3A_112 = tpu.vector_load_idx %arg7[%add3A_111] : memref<13312xf32, #tpu.memory_space<vmem>>[vector<16xi32>], vector<16xf32>,
      %add3A_113 = arith.addf %add3A_107, %gather3A_112 : vector<16xf32>
      %add3A_114 = arith.constant 8192 : i32
      %add3A_115 = arith.addi %mul3A_17, %add3A_114 : i32
      %add3A_116 = vector.broadcast %add3A_115 : i32 to vector<16xi32>
      %add3A_117 = arith.addi %iota3A, %add3A_116 : vector<16xi32>
      %gather3A_118 = tpu.vector_load_idx %arg7[%add3A_117] : memref<13312xf32, #tpu.memory_space<vmem>>[vector<16xi32>], vector<16xf32>,
      %add3A_119 = arith.addf %add3A_113, %gather3A_118 : vector<16xf32>
      %add3A_120 = arith.constant 8704 : i32
      %add3A_121 = arith.addi %mul3A_17, %add3A_120 : i32
      %add3A_122 = vector.broadcast %add3A_121 : i32 to vector<16xi32>
      %add3A_123 = arith.addi %iota3A, %add3A_122 : vector<16xi32>
      %gather3A_124 = tpu.vector_load_idx %arg7[%add3A_123] : memref<13312xf32, #tpu.memory_space<vmem>>[vector<16xi32>], vector<16xf32>,
      %add3A_125 = arith.addf %add3A_119, %gather3A_124 : vector<16xf32>
      %add3A_126 = arith.constant 9216 : i32
      %add3A_127 = arith.addi %mul3A_17, %add3A_126 : i32
      %add3A_128 = vector.broadcast %add3A_127 : i32 to vector<16xi32>
      %add3A_129 = arith.addi %iota3A, %add3A_128 : vector<16xi32>
      %gather3A_130 = tpu.vector_load_idx %arg7[%add3A_129] : memref<13312xf32, #tpu.memory_space<vmem>>[vector<16xi32>], vector<16xf32>,
      %add3A_131 = arith.addf %add3A_125, %gather3A_130 : vector<16xf32>
      %add3A_132 = arith.constant 9728 : i32
      %add3A_133 = arith.addi %mul3A_17, %add3A_132 : i32
      %add3A_134 = vector.broadcast %add3A_133 : i32 to vector<16xi32>
      %add3A_135 = arith.addi %iota3A, %add3A_134 : vector<16xi32>
      %gather3A_136 = tpu.vector_load_idx %arg7[%add3A_135] : memref<13312xf32, #tpu.memory_space<vmem>>[vector<16xi32>], vector<16xf32>,
      %add3A_137 = arith.addf %add3A_131, %gather3A_136 : vector<16xf32>
      %add3A_138 = arith.constant 10240 : i32
      %add3A_139 = arith.addi %mul3A_17, %add3A_138 : i32
      %add3A_140 = vector.broadcast %add3A_139 : i32 to vector<16xi32>
      %add3A_141 = arith.addi %iota3A, %add3A_140 : vector<16xi32>
      %gather3A_142 = tpu.vector_load_idx %arg7[%add3A_141] : memref<13312xf32, #tpu.memory_space<vmem>>[vector<16xi32>], vector<16xf32>,
      %add3A_143 = arith.addf %add3A_137, %gather3A_142 : vector<16xf32>
      %add3A_144 = arith.constant 10752 : i32
      %add3A_145 = arith.addi %mul3A_17, %add3A_144 : i32
      %add3A_146 = vector.broadcast %add3A_145 : i32 to vector<16xi32>
      %add3A_147 = arith.addi %iota3A, %add3A_146 : vector<16xi32>
      %gather3A_148 = tpu.vector_load_idx %arg7[%add3A_147] : memref<13312xf32, #tpu.memory_space<vmem>>[vector<16xi32>], vector<16xf32>,
      %add3A_149 = arith.addf %add3A_143, %gather3A_148 : vector<16xf32>
      %add3A_150 = arith.constant 11264 : i32
      %add3A_151 = arith.addi %mul3A_17, %add3A_150 : i32
      %add3A_152 = vector.broadcast %add3A_151 : i32 to vector<16xi32>
      %add3A_153 = arith.addi %iota3A, %add3A_152 : vector<16xi32>
      %gather3A_154 = tpu.vector_load_idx %arg7[%add3A_153] : memref<13312xf32, #tpu.memory_space<vmem>>[vector<16xi32>], vector<16xf32>,
      %add3A_155 = arith.addf %add3A_149, %gather3A_154 : vector<16xf32>
      %add3A_156 = arith.constant 11776 : i32
      %add3A_157 = arith.addi %mul3A_17, %add3A_156 : i32
      %add3A_158 = vector.broadcast %add3A_157 : i32 to vector<16xi32>
      %add3A_159 = arith.addi %iota3A, %add3A_158 : vector<16xi32>
      %gather3A_160 = tpu.vector_load_idx %arg7[%add3A_159] : memref<13312xf32, #tpu.memory_space<vmem>>[vector<16xi32>], vector<16xf32>,
      %add3A_161 = arith.addf %add3A_155, %gather3A_160 : vector<16xf32>
      %add3A_162 = arith.constant 12288 : i32
      %add3A_163 = arith.addi %mul3A_17, %add3A_162 : i32
      %add3A_164 = vector.broadcast %add3A_163 : i32 to vector<16xi32>
      %add3A_165 = arith.addi %iota3A, %add3A_164 : vector<16xi32>
      %gather3A_166 = tpu.vector_load_idx %arg7[%add3A_165] : memref<13312xf32, #tpu.memory_space<vmem>>[vector<16xi32>], vector<16xf32>,
      %add3A_167 = arith.addf %add3A_161, %gather3A_166 : vector<16xf32>
      %add3A_168 = arith.constant 12800 : i32
      %add3A_169 = arith.addi %mul3A_17, %add3A_168 : i32
      %add3A_170 = vector.broadcast %add3A_169 : i32 to vector<16xi32>
      %add3A_171 = arith.addi %iota3A, %add3A_170 : vector<16xi32>
      %gather3A_172 = tpu.vector_load_idx %arg7[%add3A_171] : memref<13312xf32, #tpu.memory_space<vmem>>[vector<16xi32>], vector<16xf32>,
      %add3A_173 = arith.addf %add3A_167, %gather3A_172 : vector<16xf32>
      %swap3A = arith.index_cast %mul3A_17 : i32 to index
      %swap3A_174 = tpu.vector_load %arg8[%swap3A] {strides = array<i32>} : memref<512xf32, #tpu.memory_space<vmem>>, vector<16xf32>,
      tpu.vector_store %arg8[%swap3A], %add3A_173 {strides = array<i32>} : memref<512xf32, #tpu.memory_space<vmem>>, vector<16xf32>,
    }
    %scan3A_14 = arith.constant 32 : i32
    "tpu.region"() ({
      %run_scoped3A = tpu.sem_alloc : memref<!tpu.dma_semaphore, #tpu.memory_space<semaphore_mem>>
      %dma_start3A = tpu.memref_slice %arg5[%mul3A_2] : memref<16384xf32, #tpu.memory_space<hbm>> -> memref<512xf32, #tpu.memory_space<hbm>>
      %dma_start3A_15 = tpu.memref_slice %arg5[%mul3A_2] : memref<16384xf32, #tpu.memory_space<hbm>> -> memref<512xf32, #tpu.memory_space<hbm>>
      tpu.enqueue_dma source(%arg8 : memref<512xf32, #tpu.memory_space<vmem>>) target(%dma_start3A_15 : memref<512xf32, #tpu.memory_space<hbm>>) target_semaphore(%run_scoped3A : memref<!tpu.dma_semaphore, #tpu.memory_space<semaphore_mem>>)
      %dma_wait3A = tpu.memref_slice %arg5[%mul3A_2] : memref<16384xf32, #tpu.memory_space<hbm>> -> memref<512xf32, #tpu.memory_space<hbm>>
      %dma_wait3A_16 = tpu.memref_slice %arg5[%mul3A_2] : memref<16384xf32, #tpu.memory_space<hbm>> -> memref<512xf32, #tpu.memory_space<hbm>>
      tpu.wait_dma2 semaphore(%run_scoped3A : memref<!tpu.dma_semaphore, #tpu.memory_space<semaphore_mem>>) src(%arg8 : memref<512xf32, #tpu.memory_space<vmem>>) dst(%dma_wait3A_16 : memref<512xf32, #tpu.memory_space<hbm>>)
      tpu.yield
    }) : () -> ()
    return
  }
}

</mosaic_0001>

<sc_bundles>
// kernel: _lr_sc.3.cloned.1.call-start
scs
__scs_entry_jumppad:
0x0: {  	(pc) =	sbr.rel $0x88, $3  }
0x1: {  	(tag) =	ssettag $0x0;
	lr =	simm.s32 $0x1  }
0x2: {  	[smem:$0x3F9E] =	sst lr;
	_ =	strace $0xD0000000  }
0x3: {  	_ = 	snop  }
0x4: {  	_ = 	snop  }
0x5: {  	_ = 	snop  }
0x6: {  	_ = 	snop  }
0x7: {  	_ = 	snop  }
__scs_overlays_trampoline_lowered:
0x8: {  	[smem:$0x3FAD] =	sst s0  }
0x9: {  	[smem:$0x3FAE] =	sst s1  }
0xa: {  	[smem:$0x3FAF] =	sst s2  }
0xb: {  	[smem:$0x3FB0] =	sst s3  }
0xc: {  	[smem:$0x3FB1] =	sst s4  }
0xd: {  	[smem:$0x3FB2] =	sst s5  }
0xe: {  	[smem:$0x3FB3] =	sst s6  }
0xf: {  	[smem:$0x3FB4] =	sst s7  }
0x10: {  	[smem:$0x3FB5] =	sst s8  }
0x11: {  	[smem:$0x3FB6] =	sst s9;
	s0 =	simm.s32 @!p0 $0x0  }
0x12: {  	s1 =	sld [smem:$0x3F9C];
	s0 =	simm.s32 @p0 $0x1  }
0x13: {  	[smem:$0x3FB7] =	sst s0;
	s0 =	simm.s32 @!p1 $0x0  }
0x14: {  	s2 =	sld [smem:$0x3F9B];
	s0 =	simm.s32 @p1 $0x1  }
0x15: {  	[smem:$0x3FB8] =	sst s0;
	s0 =	simm.s32 @!p2 $0x0  }
0x16: {  	s3 =	sld [smem:$0x3FDB];
	s0 =	simm.s32 @p2 $0x1  }
0x17: {  	s4 =	simm.s32 $0x1BF5;
	[smem:$0x3FBA] =	sst s0  }
0x18: {  	s0 =	sld [smem:$0x3F9D];
	_ =	swait.ge [sflag:s4], $0x0  }
0x19: {  	s7 =	sld [smem:$0x3F9E]  }
0x1a: {  	s8 =	sadd.s32 $0xFFFFE003, lr  }
0x1b: {  	s9 =	sadd.s32 $0xFFFFFEF7, lr;
	s5 =	simm.s32 $0xFFFFFFFF;
	p2 =	slt.u32 s8, $0xFFFFF086  }
0x1c: {  	p1 =	slt.u32 s9, $0xF7A;
	s5 =	simm.s32 @!p2 $0x0  }
0x1d: {  	s5 =	simm.s32 @p1 $0x1;
	p0 =	seq.s32 s7, s2  }
0x1e: {  	s7 =	smul.u32 @!p0 $0xF7A, s2;
	p2 =	seq.s32 @!p0 s5, $0x0  }
0x1f: {  	s9 =	smul.u32 $0xF7A, s1;
	s8 =	simm.s32 @!p0 $0x1BF5;
	p2 =	por !p2, p0  }
0x20: {  	[sflag:s8] =	ssyncset.s32 @!p0 $0xFFFFF086;
	s6 =	sadd.s32 @!p0 s3, s7;
	s7 =	simm.s32 @!p0 $0x108  }
0x21: {  	s3 =	sadd.s32 s3, s9;
	s6 =	sadd.s32 @!p0 $0x88, s6;
	s7 =	simm.s32 @p2 $0x1082  }
0x22: {  	[simem:s7], [sflag:s8] =	dma.local @!p0 [hbm:s6], $0xF7A  }
0x23: {  	s9 =	sor.u32 $0xD0000000, s2;
	s6 =	simm.s32 $0x108;
	_ =	swait.ge @!p0 [sflag:s8], $0x0  }
0x24: {  	s3 =	sadd.s32 $0x88, s3;
	s6 =	simm.s32 @!p1 $0x1082;
	[sflag:s4] =	ssyncset.s32 $0xFFFFF086  }
0x25: {  	[simem:s6], [sflag:s4] =	dma.local [hbm:s3], $0xF7A  }
0x26: {  	[smem:$0x3F9E] =	sst s1;
	(tag) =	ssettag s2;
	_ =	strace s9  }
0x27: {  	s1 =	sld [smem:$0x3FAE]  }
0x28: {  	s2 =	sld [smem:$0x3FAF]  }
0x29: {  	s4 =	sld [smem:$0x3FB1]  }
0x2a: {  	p0 =	seq.s32 s5, $0x0;
	s5 =	sld [smem:$0x3FB2]  }
0x2b: {  	s6 =	sld [smem:$0x3FB3]  }
0x2c: {  	s7 =	sld [smem:$0x3FB4]  }
0x2d: {  	s3 =	simm.s32 $0x108;
	s8 =	sld [smem:$0x3FB5]  }
0x2e: {  	s3 =	simm.s32 @!p0 $0x1082;
	s9 =	sld [smem:$0x3FB6]  }
0x2f: {  	lr =	sadd.s32 s0, s3;
	s0 =	sld [smem:$0x3FAD]  }
0x30: {  	s3 =	sld [smem:$0x3FB0]  }
0x31: {  	[smem:$0x3FB9] =	sst s10  }
0x32: {  	s10 =	sld [smem:$0x3FB7];
	_ =	sdelay $0x3  }
0x33: {  	p0 =	seq.s32 s10, $0x1;
	s10 =	sld [smem:$0x3FB9];
	_ =	sdelay $0x3  }
0x34: {  	[smem:$0x3FB9] =	sst s10  }
0x35: {  	s10 =	sld [smem:$0x3FB8];
	_ =	sdelay $0x3  }
0x36: {  	p1 =	seq.s32 s10, $0x1;
	s10 =	sld [smem:$0x3FB9];
	_ =	sdelay $0x3  }
0x37: {  	[smem:$0x3FB9] =	sst s10  }
0x38: {  	s10 =	sld [smem:$0x3FBA]  }
0x39: {  	_ = 	snop;
	(pc) =	sbr.ind lr, $3  }
0x3a: {  	_ = 	snop  }
0x3b: {  	_ = 	snop  }
0x3c: {  	p2 =	seq.s32 s10, $0x1;
	s10 =	sld [smem:$0x3FB9]  }
0x3d: {  	_ =	shalt  }
0x3e: {  	_ =	shalt  }
0x3f: {  	_ =	shalt  }
0x40: {  	_ =	shalt  }
0x41: {  	_ =	shalt  }
0x42: {  	_ =	shalt  }
0x43: {  	_ =	shalt  }
0x44: {  	_ =	shalt  }
0x45: {  	_ =	shalt  }
0x46: {  	_ =	shalt  }
0x47: {  	_ =	shalt  }
0x48: {  	_ =	shalt  }
0x49: {  	_ =	shalt  }
0x4a: {  	_ =	shalt  }
0x4b: {  	_ =	shalt  }
0x4c: {  	_ =	shalt  }
0x4d: {  	_ =	shalt  }
0x4e: {  	_ =	shalt  }
0x4f: {  	_ =	shalt  }
0x50: {  	_ =	shalt  }
0x51: {  	_ =	shalt  }
0x52: {  	_ =	shalt  }
0x53: {  	_ =	shalt  }
0x54: {  	_ =	shalt  }
0x55: {  	_ =	shalt  }
0x56: {  	_ =	shalt  }
0x57: {  	_ =	shalt  }
0x58: {  	_ =	shalt  }
0x59: {  	_ =	shalt  }
0x5a: {  	_ =	shalt  }
0x5b: {  	_ =	shalt  }
0x5c: {  	_ =	shalt  }
0x5d: {  	_ =	shalt  }
0x5e: {  	_ =	shalt  }
0x5f: {  	_ =	shalt  }
0x60: {  	_ =	shalt  }
0x61: {  	_ =	shalt  }
0x62: {  	_ =	shalt  }
0x63: {  	_ =	shalt  }
0x64: {  	_ =	shalt  }
0x65: {  	_ =	shalt  }
0x66: {  	_ =	shalt  }
0x67: {  	_ =	shalt  }
0x68: {  	_ =	shalt  }
0x69: {  	_ =	shalt  }
0x6a: {  	_ =	shalt  }
0x6b: {  	_ =	shalt  }
0x6c: {  	_ =	shalt  }
0x6d: {  	_ =	shalt  }
0x6e: {  	_ =	shalt  }
0x6f: {  	_ =	shalt  }
0x70: {  	_ =	shalt  }
0x71: {  	_ =	shalt  }
0x72: {  	_ =	shalt  }
0x73: {  	_ =	shalt  }
0x74: {  	_ =	shalt  }
0x75: {  	_ =	shalt  }
0x76: {  	_ =	shalt  }
0x77: {  	_ =	shalt  }
0x78: {  	_ =	shalt  }
0x79: {  	_ =	shalt  }
0x7a: {  	_ =	shalt  }
0x7b: {  	_ =	shalt  }
0x7c: {  	_ =	shalt  }
0x7d: {  	_ =	shalt  }
0x7e: {  	_ =	shalt  }
0x7f: {  	_ =	shalt  }
0x80: {  	_ =	shalt  }
0x81: {  	_ =	shalt  }
0x82: {  	_ =	shalt  }
0x83: {  	_ =	shalt  }
0x84: {  	_ =	shalt  }
0x85: {  	_ =	shalt  }
0x86: {  	_ =	shalt  }
0x87: {  	_ =	shalt  }
.Lfunc_end0:
.L_simem_size_0:
called_computation_lowered:
.L_overlay_start_0:
0x88: {  	s2 =	sld [smem:$0x3FD9]  }
0x89: {  	s3 =	sld [smem:$0x3FFE];
	_ =	sdelay $0x1  }
0x8a: {  	s1 =	srdreg.scid  }
0x8b: {  	s0 =	sand.u32 $0x1, s1  }
0x8c: {  	s18 =	sshll.u32 s0, $0xA;
	s2 =	sadd.s32 s3, s2  }
0x8d: {  	s2 =	sadd.s32 s2, s18  }
0x8e: {  	[smem:$0x3FC5] =	sst s2  }
0x8f: {  	_ = 	snop  }
0x90: {  	s2 =	sld [smem:$0x3FC9]  }
0x91: {  	s19 =	sld [smem:$0x3FC8]  }
0x92: {  	s4 =	sld [smem:$0x3FC7]  }
0x93: {  	s5 =	sld [smem:$0x3FD0];
	(tm) =	ssettm $0x1  }
0x94: {  	s6 =	sld [smem:$0x3FFB];
	_ =	sdelay $0x3  }
0x95: {  	_ =	strace s6  }
0x96: {  	s6 =	sld [smem:$0x3FFC];
	_ =	sdelay $0x3  }
0x97: {  	_ =	strace s6  }
0x98: {  	s6 =	sld [smem:$0x3FFD];
	_ =	sdelay $0x3  }
0x99: {  	_ =	strace s6  }
0x9a: {  	_ =	strace $0x8FFFFFFF  }
0x9b: {  	s20 =	sld [smem:$0x3FDB];
	_ =	sdelay $0x1  }
0x9c: {  	s7 =	simm.s32 $_scs_section_size  }
0x9d: {  	s8 =	simm.s32 $_size__tile_overlayer_lowered;
	s9 =	simm.s32 $_tile_overlayer_lowered  }
0x9e: {  	s23 =	simm.s32 $0x1BFF;
	s22 =	sshll.u32 s9, $0x1;
	s6 =	sadd.s32 s7, s20  }
0x9f: {  	s10 =	simm.s32 $0x0;
	s21 =	sshll.u32 s8, $0x1;
	s8 =	sadd.s32 s22, s6  }
0xa0: {  	[timem:s10], [sflag:s23] =	dma.local [hbm:s8], s21  }
0xa1: {  	_ =	swait.ge [sflag:s23], s21  }
0xa2: {  	s7 =	ssub.s32 $0x0, s21;
	[sflag:s23] =	ssyncset.done $0x0  }
0xa3: {  	[sflag:s23] =	ssyncadd.s32 s7;
	_ =	sdelay $0x1  }
0xa4: {  	s24 =	simm.s32 $0x1B8B  }
0xa5: {  	_ =	swait.ge [sflag:s24], $0x1  }
0xa6: {  	[sflag:s24] =	ssyncset.done $0x0  }
0xa7: {  	s25 =	simm.s32 $0x1B8E;
	[sflag:s24] =	ssyncadd.s32 $0xFFFFFFFF  }
0xa8: {  	s26 =	simm.s32 $execute0_lowered;
	[smem:$0x3FD2] =	sst s25  }
0xa9: {  	s7 =	sshll.u32 s26, $0x1;
	_ =	strace $0x80000046;
	[dreg:$0x1] =	wrdreg $0xFFFFFFFF  }
0xaa: {  	s28 =	simm.s32 $_size_execute0_lowered;
	s6 =	sadd.s32 s6, s7;
	[dreg:$0x0] =	wrdreg $0x0  }
0xab: {  	s7 =	sshll.u32 s28, $0x1;
	[dreg:$0x2] =	wrdreg s6  }
0xac: {  	[dreg:$0x3] =	wrdreg s7  }
0xad: {  	[dreg:$0x4] =	wrdreg $0xC0  }
0xae: {  	_ =	task [dreg:s10], $0x5FFFF  }
0xaf: {  	[dreg:$0x1] =	wrdreg $0xFFFFFFFF  }
0xb0: {  	[dreg:$0x0] =	wrdreg $0x60  }
0xb1: {  	[dreg:$0x2] =	wrdreg s2  }
0xb2: {  	[dreg:$0x3] =	wrdreg s19  }
0xb3: {  	[dreg:$0x4] =	wrdreg s4  }
0xb4: {  	[dreg:$0x5] =	wrdreg s5  }
0xb5: {  	[dreg:$0x6] =	wrdreg $0x9  }
0xb6: {  	_ =	task.clear_ibuf [dreg:s10], $0x7FFFF;
	_ =	strace $0x90000046  }
0xb7: {  	s29 =	simm.s32 $0x9;
	_ =	strace $0x80000048  }
0xb8: {  	_ =	swait.ge [sflag:s29], $0x1  }
0xb9: {  	[sflag:s29] =	ssyncadd.s32 $0xFFFFFFFF  }
0xba: {  	_ =	strace $0x90000048  }
0xbb: {  	_ =	sfence  }
0xbc: {  	s30 =	sld [smem:$0x0];
	_ =	sdelay $0x2  }
0xbd: {  	s31 =	sshll.u32 s1, $0xD;
	s1 =	sshrl.u32 s1, $0x2  }
0xbe: {  	s3 =	sand.u32 $0x4000, s31;
	s1 =	sadd.s32 s1, s30  }
0xbf: {  	s0 =	sor.u32 s3, s0;
	s1 =	sshll.u32 s1, $0x11  }
0xc0: {  	s0 =	sor.u32 s1, s0  }
0xc1: {  	s0 =	sadd.s32 $0x8F2B, s0  }
0xc2: {  	[sflag:s0] =	ssyncadd.remote.s32 $0x1  }
0xc3: {  	_ =	sfence.sel $0xFFFF  }
0xc4: {  	[dreg:$0x0] =	wrdreg $0xFFFFFFFF;
	(pc) =	sbr.abs _section_cstart, $3  }
0xc5: {  	[dreg:$0x1] =	wrdreg $0xFFFFFFFF  }
0xc6: {  	_ =	task.clear_ibuf [dreg:s10], $0x2FFFF;
	_ =	strace $0x9FFFFFFF  }
0xc7: {  	(tm) =	ssettm $0x7FFFFFFF  }
tec
execute0_lowered:
.L_overlay_start_1:
0x0: {  	(tag) =	ssettag $0x1  }
0x1: {  	s5 =	rddreg [dreg:$0x0]  }
0x2: {  	s1 =	rddreg [dreg:$0x1]  }
0x3: {  	s3 =	rddreg [dreg:$0x2];
	s2 =	srdreg.scid  }
0x4: {  	s0 =	stileid.u32;
	s6 =	rddreg [dreg:$0x3];
	s4 =	simm.s32 $0x0  }
0x5: {  	s11 =	simm.s32 $0x1;
	s12 =	simm.s32 $0x3400;
	s13 =	simm.s32 $0x6800  }
0x6: {  	s14 =	simm.s32 $0x0;
	s7 =	sand.u32 $0x1, s2;
	s8 =	sshll.u32 s0, $0x1  }
0x7: {  	[smem:$0x7FF] =	sst s4;
	s8 =	sor.u32 s7, s8;
	s7 =	ssub.s32 $0x2, s7  }
0x8: {  	s2 =	rddreg [dreg:$0x4];
	_ =	strace $0x80000047;
	s10 =	sshrl.u32 s7, $0x1  }
0x9: {  	s9 =	smul.u32 $0x680, s8;
	s8 =	sshll.u32 s8, $0x6;
	s7 =	ssub.s32 s7, s10  }
0xa: {  	s6 =	sadd.s32 s6, s8;
	s8 =	simm.s32 $0x2;
	s10 =	simm.s32 $0x80  }
0xb: {  	v0 =	vlaneseq.u32;
	s5 =	sadd.s32 s5, s9;
	s7 =	smax.u32 s7, $0x1;
	s9 =	simm.s32 $0x6A00  }
.LBB2_1:
0xc: {  	[tilespmem:s4], [sflag:$0x2] =	stream.linear.gather [hbm4b:s5+s4], $0x3400, $0x38;
	[tilespmem:$0x6A80] =	vst v63  }
0xd: {  	_ =	swait.ge [sflag:s8], $0x3400  }
0xe: {  	[sflag:s8] =	ssyncset.done $0x0  }
0xf: {  	[sflag:s8] =	ssyncadd.s32 $0xFFFFCC00  }
0x10: {  	[tilespmem:s9], [sflag:$0x2] =	stream.linear.gather [hbm4b:s3+s4], $0x1, $0x38;
	[tilespmem:$0x6A80] =	vst v63  }
0x11: {  	_ =	swait.ge [sflag:s8], $0x1  }
0x12: {  	[sflag:s8] =	ssyncset.done $0x0  }
0x13: {  	s15 =	simm.s32 $0x0;
	s16 =	simm.s32 $0x3400;
	[sflag:s8] =	ssyncadd.s32 $0xFFFFFFFF  }
0x14: {  	v1 =	vld.msk [tilespmem:s9+$0x0], $0xffff;
	[tilespmem:s16], [sflag:$0x1] =	stream.indirect.gather [hbm4b:s1+s10], $0x1, s15, s10, $0xb8  }
0x15: {  	s21 =	simm.s32 $0x3480;
	s22 =	simm.s32 $0x80  }
0x16: {  	[tilespmem:s21], [sflag:$0x1] =	stream.indirect.gather [hbm4b:s1+s10], $0x1, s22, s10, $0xb8;
	[tilespmem:$0x6A80] =	vst v63  }
0x17: {  	s23 =	simm.s32 $0x3500;
	s24 =	simm.s32 $0x100  }
0x18: {  	[tilespmem:s23], [sflag:$0x1] =	stream.indirect.gather [hbm4b:s1+s10], $0x1, s24, s10, $0xb8;
	[tilespmem:$0x6A80] =	vst v63  }
0x19: {  	s25 =	simm.s32 $0x3580;
	s26 =	simm.s32 $0x180  }
0x1a: {  	[tilespmem:s25], [sflag:$0x1] =	stream.indirect.gather [hbm4b:s1+s10], $0x1, s26, s10, $0xb8;
	[tilespmem:$0x6A80] =	vst v63  }
0x1b: {  	s28 =	simm.s32 $0x3600;
	s29 =	simm.s32 $0x200  }
0x1c: {  	[tilespmem:s28], [sflag:$0x1] =	stream.indirect.gather [hbm4b:s1+s10], $0x1, s29, s10, $0xb8;
	[tilespmem:$0x6A80] =	vst v63  }
0x1d: {  	s30 =	simm.s32 $0x3680;
	s31 =	simm.s32 $0x280  }
0x1e: {  	[tilespmem:s30], [sflag:$0x1] =	stream.indirect.gather [hbm4b:s1+s10], $0x1, s31, s10, $0xb8;
	[tilespmem:$0x6A80] =	vst v63  }
0x1f: {  	s17 =	simm.s32 $0x3700;
	s18 =	simm.s32 $0x300  }
0x20: {  	[tilespmem:s17], [sflag:$0x1] =	stream.indirect.gather [hbm4b:s1+s10], $0x1, s18, s10, $0xb8;
	[tilespmem:$0x6A80] =	vst v63  }
0x21: {  	s19 =	simm.s32 $0x3780;
	s20 =	simm.s32 $0x380  }
0x22: {  	[tilespmem:s19], [sflag:$0x1] =	stream.indirect.gather [hbm4b:s1+s10], $0x1, s20, s10, $0xb8;
	[tilespmem:$0x6A80] =	vst v63  }
0x23: {  	s21 =	simm.s32 $0x3800;
	s22 =	simm.s32 $0x400  }
0x24: {  	[tilespmem:s21], [sflag:$0x1] =	stream.indirect.gather [hbm4b:s1+s10], $0x1, s22, s10, $0xb8;
	[tilespmem:$0x6A80] =	vst v63  }
0x25: {  	s23 =	simm.s32 $0x3880;
	s24 =	simm.s32 $0x480  }
0x26: {  	[tilespmem:s23], [sflag:$0x1] =	stream.indirect.gather [hbm4b:s1+s10], $0x1, s24, s10, $0xb8;
	[tilespmem:$0x6A80] =	vst v63  }
0x27: {  	s25 =	simm.s32 $0x3900;
	s26 =	simm.s32 $0x500  }
0x28: {  	[tilespmem:s25], [sflag:$0x1] =	stream.indirect.gather [hbm4b:s1+s10], $0x1, s26, s10, $0xb8;
	[tilespmem:$0x6A80] =	vst v63  }
0x29: {  	s28 =	simm.s32 $0x3980;
	s29 =	simm.s32 $0x580  }
0x2a: {  	[tilespmem:s28], [sflag:$0x1] =	stream.indirect.gather [hbm4b:s1+s10], $0x1, s29, s10, $0xb8;
	[tilespmem:$0x6A80] =	vst v63  }
0x2b: {  	s30 =	simm.s32 $0x3A00;
	s31 =	simm.s32 $0x600  }
0x2c: {  	[tilespmem:s30], [sflag:$0x1] =	stream.indirect.gather [hbm4b:s1+s10], $0x1, s31, s10, $0xb8;
	[tilespmem:$0x6A80] =	vst v63  }
0x2d: {  	_ =	swait.ge [sflag:s11], $0x80  }
0x2e: {  	[sflag:s11] =	ssyncset.done $0x0  }
0x2f: {  	[sflag:s11] =	ssyncadd.s32 $0xFFFFFF80  }
0x30: {  	_ =	swait.ge [sflag:s11], $0x80  }
0x31: {  	[sflag:s11] =	ssyncset.done $0x0  }
0x32: {  	[sflag:s11] =	ssyncadd.s32 $0xFFFFFF80  }
0x33: {  	_ =	swait.ge [sflag:s11], $0x80  }
0x34: {  	[sflag:s11] =	ssyncset.done $0x0  }
0x35: {  	[sflag:s11] =	ssyncadd.s32 $0xFFFFFF80  }
0x36: {  	_ =	swait.ge [sflag:s11], $0x80  }
0x37: {  	[sflag:s11] =	ssyncset.done $0x0  }
0x38: {  	[sflag:s11] =	ssyncadd.s32 $0xFFFFFF80  }
0x39: {  	_ =	swait.ge [sflag:s11], $0x80  }
0x3a: {  	[sflag:s11] =	ssyncset.done $0x0  }
0x3b: {  	[sflag:s11] =	ssyncadd.s32 $0xFFFFFF80  }
0x3c: {  	_ =	swait.ge [sflag:s11], $0x80  }
0x3d: {  	[sflag:s11] =	ssyncset.done $0x0  }
0x3e: {  	[sflag:s11] =	ssyncadd.s32 $0xFFFFFF80  }
0x3f: {  	_ =	swait.ge [sflag:s11], $0x80  }
0x40: {  	[sflag:s11] =	ssyncset.done $0x0  }
0x41: {  	[sflag:s11] =	ssyncadd.s32 $0xFFFFFF80  }
0x42: {  	_ =	swait.ge [sflag:s11], $0x80  }
0x43: {  	[sflag:s11] =	ssyncset.done $0x0  }
0x44: {  	[sflag:s11] =	ssyncadd.s32 $0xFFFFFF80  }
0x45: {  	_ =	swait.ge [sflag:s11], $0x80  }
0x46: {  	[sflag:s11] =	ssyncset.done $0x0  }
0x47: {  	[sflag:s11] =	ssyncadd.s32 $0xFFFFFF80  }
0x48: {  	_ =	swait.ge [sflag:s11], $0x80  }
0x49: {  	[sflag:s11] =	ssyncset.done $0x0  }
0x4a: {  	[sflag:s11] =	ssyncadd.s32 $0xFFFFFF80  }
0x4b: {  	_ =	swait.ge [sflag:s11], $0x80  }
0x4c: {  	[sflag:s11] =	ssyncset.done $0x0  }
0x4d: {  	[sflag:s11] =	ssyncadd.s32 $0xFFFFFF80  }
0x4e: {  	_ =	swait.ge [sflag:s11], $0x80  }
0x4f: {  	[sflag:s11] =	ssyncset.done $0x0  }
0x50: {  	[sflag:s11] =	ssyncadd.s32 $0xFFFFFF80  }
0x51: {  	_ =	swait.ge [sflag:s11], $0x80  }
0x52: {  	s18 =	simm.s32 $0x3400;
	s17 =	simm.s32 $0x680;
	[sflag:s11] =	ssyncset.done $0x0  }
.LBB2_2:
0x53: {  	s19 =	sadd.s32 $0x3400, s17  }
0x54: {  	[sflag:s11] =	ssyncadd.s32 $0xFFFFFF80;
	s16 =	smov.u32 s18;
	s15 =	sadd.s32 $0x1A00, s18  }
0x55: {  	[tilespmem:s19], [sflag:$0x1] =	stream.indirect.gather [hbm4b:s1+s10], $0x1, s17, s10, $0xb8;
	[tilespmem:$0x6A80] =	vst v63  }
0x56: {  	p0 =	sne.s32 s18, $0xB600;
	s18 =	sadd.s32 $0x3480, s17;
	s19 =	sadd.s32 $0x80, s17  }
0x57: {  	[tilespmem:s18], [sflag:$0x1] =	stream.indirect.gather [hbm4b:s1+s10], $0x1, s19, s10, $0xb8;
	[tilespmem:$0x6A80] =	vst v63  }
0x58: {  	s18 =	sadd.s32 $0x3500, s17;
	s19 =	sadd.s32 $0x100, s17  }
0x59: {  	[tilespmem:s18], [sflag:$0x1] =	stream.indirect.gather [hbm4b:s1+s10], $0x1, s19, s10, $0xb8;
	[tilespmem:$0x6A80] =	vst v63  }
0x5a: {  	s18 =	sadd.s32 $0x3580, s17;
	s19 =	sadd.s32 $0x180, s17  }
0x5b: {  	[tilespmem:s18], [sflag:$0x1] =	stream.indirect.gather [hbm4b:s1+s10], $0x1, s19, s10, $0xb8;
	[tilespmem:$0x6A80] =	vst v63  }
0x5c: {  	s18 =	sadd.s32 $0x3600, s17;
	s19 =	sadd.s32 $0x200, s17  }
0x5d: {  	[tilespmem:s18], [sflag:$0x1] =	stream.indirect.gather [hbm4b:s1+s10], $0x1, s19, s10, $0xb8;
	[tilespmem:$0x6A80] =	vst v63  }
0x5e: {  	s18 =	sadd.s32 $0x3680, s17;
	s19 =	sadd.s32 $0x280, s17  }
0x5f: {  	[tilespmem:s18], [sflag:$0x1] =	stream.indirect.gather [hbm4b:s1+s10], $0x1, s19, s10, $0xb8;
	[tilespmem:$0x6A80] =	vst v63  }
0x60: {  	s18 =	sadd.s32 $0x3700, s17;
	s19 =	sadd.s32 $0x300, s17  }
0x61: {  	[tilespmem:s18], [sflag:$0x1] =	stream.indirect.gather [hbm4b:s1+s10], $0x1, s19, s10, $0xb8;
	[tilespmem:$0x6A80] =	vst v63  }
0x62: {  	s18 =	sadd.s32 $0x3780, s17;
	s19 =	sadd.s32 $0x380, s17  }
0x63: {  	[tilespmem:s18], [sflag:$0x1] =	stream.indirect.gather [hbm4b:s1+s10], $0x1, s19, s10, $0xb8;
	[tilespmem:$0x6A80] =	vst v63  }
0x64: {  	s18 =	sadd.s32 $0x3800, s17;
	s19 =	sadd.s32 $0x400, s17  }
0x65: {  	[tilespmem:s18], [sflag:$0x1] =	stream.indirect.gather [hbm4b:s1+s10], $0x1, s19, s10, $0xb8;
	[tilespmem:$0x6A80] =	vst v63  }
0x66: {  	s18 =	sadd.s32 $0x3880, s17;
	s19 =	sadd.s32 $0x480, s17  }
0x67: {  	[tilespmem:s18], [sflag:$0x1] =	stream.indirect.gather [hbm4b:s1+s10], $0x1, s19, s10, $0xb8;
	[tilespmem:$0x6A80] =	vst v63  }
0x68: {  	s18 =	sadd.s32 $0x3900, s17;
	s19 =	sadd.s32 $0x500, s17  }
0x69: {  	[tilespmem:s18], [sflag:$0x1] =	stream.indirect.gather [hbm4b:s1+s10], $0x1, s19, s10, $0xb8;
	[tilespmem:$0x6A80] =	vst v63  }
0x6a: {  	s18 =	sadd.s32 $0x3980, s17;
	s19 =	sadd.s32 $0x580, s17  }
0x6b: {  	[tilespmem:s18], [sflag:$0x1] =	stream.indirect.gather [hbm4b:s1+s10], $0x1, s19, s10, $0xb8;
	[tilespmem:$0x6A80] =	vst v63  }
0x6c: {  	s18 =	sadd.s32 $0x3A00, s17;
	s17 =	sadd.s32 $0x600, s17  }
0x6d: {  	[tilespmem:s18], [sflag:$0x1] =	stream.indirect.gather [hbm4b:s1+s10], $0x1, s17, s10, $0xb8;
	[tilespmem:$0x6A80] =	vst v63  }
0x6e: {  	_ =	swait.ge [sflag:s11], $0x80  }
0x6f: {  	[sflag:s11] =	ssyncset.done $0x0  }
0x70: {  	[sflag:s11] =	ssyncadd.s32 $0xFFFFFF80  }
0x71: {  	_ =	swait.ge [sflag:s11], $0x80  }
0x72: {  	[sflag:s11] =	ssyncset.done $0x0  }
0x73: {  	[sflag:s11] =	ssyncadd.s32 $0xFFFFFF80  }
0x74: {  	_ =	swait.ge [sflag:s11], $0x80  }
0x75: {  	[sflag:s11] =	ssyncset.done $0x0  }
0x76: {  	[sflag:s11] =	ssyncadd.s32 $0xFFFFFF80  }
0x77: {  	_ =	swait.ge [sflag:s11], $0x80  }
0x78: {  	[sflag:s11] =	ssyncset.done $0x0  }
0x79: {  	[sflag:s11] =	ssyncadd.s32 $0xFFFFFF80  }
0x7a: {  	_ =	swait.ge [sflag:s11], $0x80  }
0x7b: {  	[sflag:s11] =	ssyncset.done $0x0  }
0x7c: {  	[sflag:s11] =	ssyncadd.s32 $0xFFFFFF80  }
0x7d: {  	_ =	swait.ge [sflag:s11], $0x80  }
0x7e: {  	[sflag:s11] =	ssyncset.done $0x0  }
0x7f: {  	[sflag:s11] =	ssyncadd.s32 $0xFFFFFF80  }
0x80: {  	_ =	swait.ge [sflag:s11], $0x80  }
0x81: {  	[sflag:s11] =	ssyncset.done $0x0  }
0x82: {  	[sflag:s11] =	ssyncadd.s32 $0xFFFFFF80  }
0x83: {  	_ =	swait.ge [sflag:s11], $0x80  }
0x84: {  	[sflag:s11] =	ssyncset.done $0x0  }
0x85: {  	[sflag:s11] =	ssyncadd.s32 $0xFFFFFF80  }
0x86: {  	_ =	swait.ge [sflag:s11], $0x80  }
0x87: {  	[sflag:s11] =	ssyncset.done $0x0  }
0x88: {  	[sflag:s11] =	ssyncadd.s32 $0xFFFFFF80  }
0x89: {  	_ =	swait.ge [sflag:s11], $0x80  }
0x8a: {  	[sflag:s11] =	ssyncset.done $0x0  }
0x8b: {  	[sflag:s11] =	ssyncadd.s32 $0xFFFFFF80  }
0x8c: {  	_ =	swait.ge [sflag:s11], $0x80  }
0x8d: {  	[sflag:s11] =	ssyncset.done $0x0  }
0x8e: {  	[sflag:s11] =	ssyncadd.s32 $0xFFFFFF80  }
.Ltmp0:
0x8f: {  	_ =	swait.ge [sflag:s11], $0x80;
	(pc) =	sbr.rel @p0 .LBB2_2-.Ltmp0, $4  }
0x90: {  	[sflag:s11] =	ssyncset.done $0x0  }
0x91: {  	[sflag:s11] =	ssyncadd.s32 $0xFFFFFF80  }
0x92: {  	_ =	swait.ge [sflag:s11], $0x80  }
0x93: {  	s17 =	sshra.s32 s16, $0x2;
	s18 =	smov.u32 s15;
	[sflag:s11] =	ssyncset.done $0x0  }
0x94: {  	s15 =	sadd.s32 $0x3400, s17;
	[sflag:s11] =	ssyncadd.s32 $0xFFFFFF80  }
0x95: {  	[tilespmem:s15], [sflag:$0x1] =	stream.indirect.gather [hbm4b:s1+s10], $0x1, s17, s10, $0xb8;
	[tilespmem:$0x6A80] =	vst v63  }
0x96: {  	s29 =	sadd.s32 $0x3480, s17;
	s16 =	sadd.s32 $0x80, s17  }
0x97: {  	[tilespmem:s29], [sflag:$0x1] =	stream.indirect.gather [hbm4b:s1+s10], $0x1, s16, s10, $0xb8;
	[tilespmem:$0x6A80] =	vst v63  }
0x98: {  	s30 =	sadd.s32 $0x3500, s17;
	s31 =	sadd.s32 $0x100, s17  }
0x99: {  	[tilespmem:s30], [sflag:$0x1] =	stream.indirect.gather [hbm4b:s1+s10], $0x1, s31, s10, $0xb8;
	[tilespmem:$0x6A80] =	vst v63  }
0x9a: {  	s18 =	sadd.s32 $0x180, s17;
	s16 =	sadd.s32 $0x3580, s17  }
0x9b: {  	[tilespmem:s16], [sflag:$0x1] =	stream.indirect.gather [hbm4b:s1+s10], $0x1, s18, s10, $0xb8;
	[tilespmem:$0x6A80] =	vst v63  }
0x9c: {  	s19 =	sadd.s32 $0x3600, s17;
	s20 =	sadd.s32 $0x200, s17  }
0x9d: {  	[tilespmem:s19], [sflag:$0x1] =	stream.indirect.gather [hbm4b:s1+s10], $0x1, s20, s10, $0xb8;
	[tilespmem:$0x6A80] =	vst v63  }
0x9e: {  	s21 =	sadd.s32 $0x3680, s17;
	s22 =	sadd.s32 $0x280, s17  }
0x9f: {  	[tilespmem:s21], [sflag:$0x1] =	stream.indirect.gather [hbm4b:s1+s10], $0x1, s22, s10, $0xb8;
	[tilespmem:$0x6A80] =	vst v63  }
0xa0: {  	s23 =	sadd.s32 $0x3700, s17;
	s24 =	sadd.s32 $0x300, s17  }
0xa1: {  	[tilespmem:s23], [sflag:$0x1] =	stream.indirect.gather [hbm4b:s1+s10], $0x1, s24, s10, $0xb8;
	[tilespmem:$0x6A80] =	vst v63  }
0xa2: {  	s25 =	sadd.s32 $0x3780, s17;
	s26 =	sadd.s32 $0x380, s17  }
0xa3: {  	[tilespmem:s25], [sflag:$0x1] =	stream.indirect.gather [hbm4b:s1+s10], $0x1, s26, s10, $0xb8;
	[tilespmem:$0x6A80] =	vst v63  }
0xa4: {  	s28 =	sadd.s32 $0x3800, s17;
	s29 =	sadd.s32 $0x400, s17  }
0xa5: {  	[tilespmem:s28], [sflag:$0x1] =	stream.indirect.gather [hbm4b:s1+s10], $0x1, s29, s10, $0xb8;
	[tilespmem:$0x6A80] =	vst v63  }
0xa6: {  	s30 =	sadd.s32 $0x3880, s17;
	s31 =	sadd.s32 $0x480, s17  }
0xa7: {  	[tilespmem:s30], [sflag:$0x1] =	stream.indirect.gather [hbm4b:s1+s10], $0x1, s31, s10, $0xb8;
	[tilespmem:$0x6A80] =	vst v63  }
0xa8: {  	s16 =	sadd.s32 $0x3900, s17;
	s18 =	sadd.s32 $0x500, s17  }
0xa9: {  	[tilespmem:s16], [sflag:$0x1] =	stream.indirect.gather [hbm4b:s1+s10], $0x1, s18, s10, $0xb8;
	[tilespmem:$0x6A80] =	vst v63  }
0xaa: {  	s19 =	sadd.s32 $0x3980, s17;
	s20 =	sadd.s32 $0x580, s17  }
0xab: {  	[tilespmem:s19], [sflag:$0x1] =	stream.indirect.gather [hbm4b:s1+s10], $0x1, s20, s10, $0xb8;
	[tilespmem:$0x6A80] =	vst v63  }
0xac: {  	s21 =	sadd.s32 $0x3A00, s17;
	s22 =	sadd.s32 $0x600, s17  }
0xad: {  	[tilespmem:s21], [sflag:$0x1] =	stream.indirect.gather [hbm4b:s1+s10], $0x1, s22, s10, $0xb8;
	[tilespmem:$0x6A80] =	vst v63  }
0xae: {  	_ =	swait.ge [sflag:s11], $0x80  }
0xaf: {  	[sflag:s11] =	ssyncset.done $0x0  }
0xb0: {  	[sflag:s11] =	ssyncadd.s32 $0xFFFFFF80  }
0xb1: {  	_ =	swait.ge [sflag:s11], $0x80  }
0xb2: {  	[sflag:s11] =	ssyncset.done $0x0  }
0xb3: {  	[sflag:s11] =	ssyncadd.s32 $0xFFFFFF80  }
0xb4: {  	_ =	swait.ge [sflag:s11], $0x80  }
0xb5: {  	[sflag:s11] =	ssyncset.done $0x0  }
0xb6: {  	[sflag:s11] =	ssyncadd.s32 $0xFFFFFF80  }
0xb7: {  	_ =	swait.ge [sflag:s11], $0x80  }
0xb8: {  	[sflag:s11] =	ssyncset.done $0x0  }
0xb9: {  	[sflag:s11] =	ssyncadd.s32 $0xFFFFFF80  }
0xba: {  	_ =	swait.ge [sflag:s11], $0x80  }
0xbb: {  	[sflag:s11] =	ssyncset.done $0x0  }
0xbc: {  	[sflag:s11] =	ssyncadd.s32 $0xFFFFFF80  }
0xbd: {  	_ =	swait.ge [sflag:s11], $0x80  }
0xbe: {  	[sflag:s11] =	ssyncset.done $0x0  }
0xbf: {  	[sflag:s11] =	ssyncadd.s32 $0xFFFFFF80  }
0xc0: {  	_ =	swait.ge [sflag:s11], $0x80  }
0xc1: {  	[sflag:s11] =	ssyncset.done $0x0  }
0xc2: {  	[sflag:s11] =	ssyncadd.s32 $0xFFFFFF80  }
0xc3: {  	_ =	swait.ge [sflag:s11], $0x80  }
0xc4: {  	[sflag:s11] =	ssyncset.done $0x0  }
0xc5: {  	[sflag:s11] =	ssyncadd.s32 $0xFFFFFF80  }
0xc6: {  	_ =	swait.ge [sflag:s11], $0x80  }
0xc7: {  	[sflag:s11] =	ssyncset.done $0x0  }
0xc8: {  	[sflag:s11] =	ssyncadd.s32 $0xFFFFFF80  }
0xc9: {  	_ =	swait.ge [sflag:s11], $0x80  }
0xca: {  	[sflag:s11] =	ssyncset.done $0x0  }
0xcb: {  	[sflag:s11] =	ssyncadd.s32 $0xFFFFFF80  }
0xcc: {  	_ =	swait.ge [sflag:s11], $0x80  }
0xcd: {  	[sflag:s11] =	ssyncset.done $0x0  }
0xce: {  	[sflag:s11] =	ssyncadd.s32 $0xFFFFFF80  }
0xcf: {  	s23 =	simm.s32 $0x0;
	_ =	swait.ge [sflag:s11], $0x80  }
0xd0: {  	v2 =	vor.u32 s23, v0;
	[sflag:s11] =	ssyncset.done $0x0  }
0xd1: {  	s24 =	simm.s32 $0x200;
	[sflag:s11] =	ssyncadd.s32 $0xFFFFFF80  }
0xd2: {  	v3 =	vor.u32 s24, v0;
	_ =	swait.ge [sflag:s11], $0x80  }
0xd3: {  	s25 =	simm.s32 $0x400;
	[sflag:s11] =	ssyncset.done $0x0  }
0xd4: {  	v4 =	vor.u32 s25, v0;
	[sflag:s11] =	ssyncadd.s32 $0xFFFFFF80  }
0xd5: {  	s26 =	simm.s32 $0x600;
	v2 =	vld.idx.msk [tilespmem:v2+s12+$0x0], $0xffff  }
0xd6: {  	v5 =	vor.u32 s26, v0  }
0xd7: {  	s28 =	simm.s32 $0x800;
	v3 =	vld.idx.msk [tilespmem:v3+s12+$0x0], $0xffff  }
0xd8: {  	v6 =	vor.u32 s28, v0  }
0xd9: {  	s29 =	simm.s32 $0xA00;
	v4 =	vld.idx.msk [tilespmem:v4+s12+$0x0], $0xffff  }
0xda: {  	v7 =	vor.u32 s29, v0;
	v2 =	vadd.f32 v2, v1  }
0xdb: {  	s30 =	simm.s32 $0xC00;
	v5 =	vld.idx.msk [tilespmem:v5+s12+$0x0], $0xffff  }
0xdc: {  	v8 =	vor.u32 s30, v0;
	v2 =	vadd.f32 v3, v2  }
0xdd: {  	s31 =	simm.s32 $0xE00;
	v3 =	vld.idx.msk [tilespmem:v6+s12+$0x0], $0xffff  }
0xde: {  	v6 =	vor.u32 s31, v0;
	v2 =	vadd.f32 v4, v2  }
0xdf: {  	s16 =	simm.s32 $0x1000;
	v4 =	vld.idx.msk [tilespmem:v7+s12+$0x0], $0xffff  }
0xe0: {  	v7 =	vor.u32 s16, v0;
	v2 =	vadd.f32 v5, v2  }
0xe1: {  	s17 =	simm.s32 $0x1200;
	v5 =	vld.idx.msk [tilespmem:v8+s12+$0x0], $0xffff  }
0xe2: {  	v51 =	vor.u32 s17, v0;
	v2 =	vadd.f32 v3, v2  }
0xe3: {  	s18 =	simm.s32 $0x1400;
	v3 =	vld.idx.msk [tilespmem:v6+s12+$0x0], $0xffff  }
0xe4: {  	v6 =	vor.u32 s18, v0;
	v2 =	vadd.f32 v4, v2  }
0xe5: {  	s19 =	simm.s32 $0x1600;
	v4 =	vld.idx.msk [tilespmem:v7+s12+$0x0], $0xffff  }
0xe6: {  	v7 =	vor.u32 s19, v0;
	v2 =	vadd.f32 v5, v2  }
0xe7: {  	s20 =	simm.s32 $0x1800;
	v5 =	vld.idx.msk [tilespmem:v51+s12+$0x0], $0xffff  }
0xe8: {  	v52 =	vor.u32 s20, v0;
	v2 =	vadd.f32 v3, v2  }
0xe9: {  	s21 =	simm.s32 $0x1A00;
	v3 =	vld.idx.msk [tilespmem:v6+s12+$0x0], $0xffff  }
0xea: {  	v6 =	vor.u32 s21, v0;
	v2 =	vadd.f32 v4, v2  }
0xeb: {  	s22 =	simm.s32 $0x1C00;
	v4 =	vld.idx.msk [tilespmem:v7+s12+$0x0], $0xffff  }
0xec: {  	v7 =	vor.u32 s22, v0;
	v2 =	vadd.f32 v5, v2  }
0xed: {  	s23 =	simm.s32 $0x1E00;
	v5 =	vld.idx.msk [tilespmem:v52+s12+$0x0], $0xffff  }
0xee: {  	v53 =	vor.u32 s23, v0;
	v2 =	vadd.f32 v3, v2  }
0xef: {  	s24 =	simm.s32 $0x2000;
	v3 =	vld.idx.msk [tilespmem:v6+s12+$0x0], $0xffff  }
0xf0: {  	v6 =	vor.u32 s24, v0;
	v2 =	vadd.f32 v4, v2  }
0xf1: {  	s25 =	simm.s32 $0x2200;
	v4 =	vld.idx.msk [tilespmem:v7+s12+$0x0], $0xffff  }
0xf2: {  	v7 =	vor.u32 s25, v0;
	v2 =	vadd.f32 v5, v2  }
0xf3: {  	s26 =	simm.s32 $0x2400;
	v5 =	vld.idx.msk [tilespmem:v53+s12+$0x0], $0xffff  }
0xf4: {  	v54 =	vor.u32 s26, v0;
	v2 =	vadd.f32 v3, v2  }
0xf5: {  	s28 =	simm.s32 $0x2600;
	v3 =	vld.idx.msk [tilespmem:v6+s12+$0x0], $0xffff  }
0xf6: {  	v6 =	vor.u32 s28, v0;
	v2 =	vadd.f32 v4, v2  }
0xf7: {  	s29 =	simm.s32 $0x2800;
	v4 =	vld.idx.msk [tilespmem:v7+s12+$0x0], $0xffff  }
0xf8: {  	v7 =	vor.u32 s29, v0;
	v2 =	vadd.f32 v5, v2  }
0xf9: {  	s30 =	simm.s32 $0x2A00;
	v5 =	vld.idx.msk [tilespmem:v54+s12+$0x0], $0xffff  }
0xfa: {  	v55 =	vor.u32 s30, v0;
	v2 =	vadd.f32 v3, v2  }
0xfb: {  	s31 =	simm.s32 $0x2C00;
	v3 =	vld.idx.msk [tilespmem:v6+s12+$0x0], $0xffff  }
0xfc: {  	v6 =	vor.u32 s31, v0;
	v2 =	vadd.f32 v4, v2  }
0xfd: {  	s16 =	simm.s32 $0x2E00;
	v4 =	vld.idx.msk [tilespmem:v7+s12+$0x0], $0xffff  }
0xfe: {  	v7 =	vor.u32 s16, v0;
	v2 =	vadd.f32 v5, v2  }
0xff: {  	s17 =	simm.s32 $0x3000;
	v5 =	vld.idx.msk [tilespmem:v55+s12+$0x0], $0xffff  }
0x100: {  	v56 =	vor.u32 s17, v0;
	v2 =	vadd.f32 v3, v2  }
0x101: {  	s18 =	simm.s32 $0x3200;
	v3 =	vld.idx.msk [tilespmem:v6+s12+$0x0], $0xffff  }
0x102: {  	v6 =	vor.u32 s18, v0;
	v2 =	vadd.f32 v4, v2  }
0x103: {  	v4 =	vld.idx.msk [tilespmem:v7+s12+$0x0], $0xffff  }
0x104: {  	v2 =	vadd.f32 v5, v2  }
0x105: {  	v5 =	vld.idx.msk [tilespmem:v56+s12+$0x0], $0xffff  }
0x106: {  	v2 =	vadd.f32 v3, v2  }
0x107: {  	v3 =	vld.idx.msk [tilespmem:v6+s12+$0x0], $0xffff  }
0x108: {  	v2 =	vadd.f32 v4, v2  }
0x109: {  	s19 =	simm.s32 $0x10  }
0x10a: {  	v4 =	vor.u32 s19, v0;
	v2 =	vadd.f32 v5, v2  }
0x10b: {  	s20 =	simm.s32 $0x210  }
0x10c: {  	v5 =	vor.u32 s20, v0;
	v2 =	vadd.f32 v3, v2  }
0x10d: {  	s15 =	simm.s32 $0x6800;
	s21 =	simm.s32 $0x410  }
0x10e: {  	v3 =	vor.u32 s21, v0;
	[tilespmem:s15+$0x0] =	vst v2  }
0x10f: {  	s22 =	simm.s32 $0x610;
	v2 =	vld.idx.msk [tilespmem:v4+s12+$0x0], $0xffff  }
0x110: {  	v4 =	vor.u32 s22, v0  }
0x111: {  	s23 =	simm.s32 $0x810;
	v5 =	vld.idx.msk [tilespmem:v5+s12+$0x0], $0xffff  }
0x112: {  	v6 =	vor.u32 s23, v0  }
0x113: {  	s24 =	simm.s32 $0xA10;
	v3 =	vld.idx.msk [tilespmem:v3+s12+$0x0], $0xffff  }
0x114: {  	v7 =	vor.u32 s24, v0;
	v2 =	vadd.f32 v2, v1  }
0x115: {  	s25 =	simm.s32 $0xC10;
	v4 =	vld.idx.msk [tilespmem:v4+s12+$0x0], $0xffff  }
0x116: {  	v57 =	vor.u32 s25, v0;
	v2 =	vadd.f32 v5, v2  }
0x117: {  	s26 =	simm.s32 $0xE10;
	v5 =	vld.idx.msk [tilespmem:v6+s12+$0x0], $0xffff  }
0x118: {  	v6 =	vor.u32 s26, v0;
	v2 =	vadd.f32 v3, v2  }
0x119: {  	s28 =	simm.s32 $0x1010;
	v3 =	vld.idx.msk [tilespmem:v7+s12+$0x0], $0xffff  }
0x11a: {  	v7 =	vor.u32 s28, v0;
	v2 =	vadd.f32 v4, v2  }
0x11b: {  	s29 =	simm.s32 $0x1210;
	v4 =	vld.idx.msk [tilespmem:v57+s12+$0x0], $0xffff  }
0x11c: {  	v58 =	vor.u32 s29, v0;
	v2 =	vadd.f32 v5, v2  }
0x11d: {  	s30 =	simm.s32 $0x1410;
	v5 =	vld.idx.msk [tilespmem:v6+s12+$0x0], $0xffff  }
0x11e: {  	v6 =	vor.u32 s30, v0;
	v2 =	vadd.f32 v3, v2  }
0x11f: {  	s31 =	simm.s32 $0x1610;
	v3 =	vld.idx.msk [tilespmem:v7+s12+$0x0], $0xffff  }
0x120: {  	v7 =	vor.u32 s31, v0;
	v2 =	vadd.f32 v4, v2  }
0x121: {  	s17 =	simm.s32 $0x1810;
	v4 =	vld.idx.msk [tilespmem:v58+s12+$0x0], $0xffff  }
0x122: {  	v59 =	vor.u32 s17, v0;
	v2 =	vadd.f32 v5, v2  }
0x123: {  	s18 =	simm.s32 $0x1A10;
	v5 =	vld.idx.msk [tilespmem:v6+s12+$0x0], $0xffff  }
0x124: {  	v6 =	vor.u32 s18, v0;
	v2 =	vadd.f32 v3, v2  }
0x125: {  	s19 =	simm.s32 $0x1C10;
	v3 =	vld.idx.msk [tilespmem:v7+s12+$0x0], $0xffff  }
0x126: {  	v7 =	vor.u32 s19, v0;
	v2 =	vadd.f32 v4, v2  }
0x127: {  	s20 =	simm.s32 $0x1E10;
	v4 =	vld.idx.msk [tilespmem:v59+s12+$0x0], $0xffff  }
0x128: {  	v60 =	vor.u32 s20, v0;
	v2 =	vadd.f32 v5, v2  }
0x129: {  	s21 =	simm.s32 $0x2010;
	v5 =	vld.idx.msk [tilespmem:v6+s12+$0x0], $0xffff  }
0x12a: {  	v6 =	vor.u32 s21, v0;
	v2 =	vadd.f32 v3, v2  }
0x12b: {  	s22 =	simm.s32 $0x2210;
	v3 =	vld.idx.msk [tilespmem:v7+s12+$0x0], $0xffff  }
0x12c: {  	v7 =	vor.u32 s22, v0;
	v2 =	vadd.f32 v4, v2  }
0x12d: {  	s23 =	simm.s32 $0x2410;
	v4 =	vld.idx.msk [tilespmem:v60+s12+$0x0], $0xffff  }
0x12e: {  	v61 =	vor.u32 s23, v0;
	v2 =	vadd.f32 v5, v2  }
0x12f: {  	s24 =	simm.s32 $0x2610;
	v5 =	vld.idx.msk [tilespmem:v6+s12+$0x0], $0xffff  }
0x130: {  	v6 =	vor.u32 s24, v0;
	v2 =	vadd.f32 v3, v2  }
0x131: {  	s25 =	simm.s32 $0x2810;
	v3 =	vld.idx.msk [tilespmem:v7+s12+$0x0], $0xffff  }
0x132: {  	v7 =	vor.u32 s25, v0;
	v2 =	vadd.f32 v4, v2  }
0x133: {  	s26 =	simm.s32 $0x2A10;
	v4 =	vld.idx.msk [tilespmem:v61+s12+$0x0], $0xffff  }
0x134: {  	v62 =	vor.u32 s26, v0;
	s28 =	simm.s32 $0x2C10;
	v2 =	vadd.f32 v5, v2  }
0x135: {  	v5 =	vld.idx.msk [tilespmem:v6+s12+$0x0], $0xffff;
	v6 =	vor.u32 s28, v0  }
0x136: {  	v2 =	vadd.f32 v3, v2  }
0x137: {  	s29 =	simm.s32 $0x2E10;
	v3 =	vld.idx.msk [tilespmem:v7+s12+$0x0], $0xffff  }
0x138: {  	v7 =	vor.u32 s29, v0;
	v2 =	vadd.f32 v4, v2  }
0x139: {  	s30 =	simm.s32 $0x3010;
	v4 =	vld.idx.msk [tilespmem:v62+s12+$0x0], $0xffff  }
0x13a: {  	v2 =	vadd.f32 v5, v2;
	v5 =	vld.idx.msk [tilespmem:v6+s12+$0x0], $0xffff;
	v6 =	vor.u32 s30, v0  }
0x13b: {  	s31 =	simm.s32 $0x3210  }
0x13c: {  	v63 =	vor.u32 s31, v0;
	v2 =	vadd.f32 v3, v2  }
0x13d: {  	v7 =	vld.idx.msk [tilespmem:v7+s12+$0x0], $0xffff  }
0x13e: {  	v2 =	vadd.f32 v4, v2  }
0x13f: {  	v3 =	vld.idx.msk [tilespmem:v6+s12+$0x0], $0xffff  }
0x140: {  	v4 =	vadd.f32 v5, v2  }
0x141: {  	v2 =	vld.idx.msk [tilespmem:v63+s12+$0x0], $0xffff  }
0x142: {  	v4 =	vadd.f32 v7, v4  }
0x143: {  	s17 =	simm.s32 $0x3230;
	s16 =	simm.s32 $0x3220;
	s18 =	simm.s32 $0x20  }
.LBB2_4:
0x144: {  	p0 =	sne.s32 s17, $0x33F0;
	v5 =	vor.u32 s18, v0;
	v3 =	vadd.f32 v3, v4  }
0x145: {  	s18 =	sadd.s32 $0xFFFFD000, s16  }
0x146: {  	v4 =	vor.u32 s18, v0;
	v2 =	vadd.f32 v2, v3  }
0x147: {  	s15 =	sadd.s32 $0x10, s15;
	s18 =	sadd.s32 $0xFFFFD200, s16  }
0x148: {  	v3 =	vor.u32 s18, v0;
	[tilespmem:s15+$0x0] =	vst v2  }
0x149: {  	s18 =	sadd.s32 $0xFFFFD400, s16;
	v2 =	vld.idx.msk [tilespmem:v5+s12+$0x0], $0xffff  }
0x14a: {  	v5 =	vor.u32 s18, v0  }
0x14b: {  	s18 =	sadd.s32 $0xFFFFD600, s16;
	v4 =	vld.idx.msk [tilespmem:v4+s12+$0x0], $0xffff  }
0x14c: {  	v6 =	vor.u32 s18, v0  }
0x14d: {  	s18 =	sadd.s32 $0xFFFFD800, s16;
	v3 =	vld.idx.msk [tilespmem:v3+s12+$0x0], $0xffff  }
0x14e: {  	v7 =	vor.u32 s18, v0  }
0x14f: {  	s18 =	sadd.s32 $0xFFFFDA00, s16;
	v2 =	vadd.f32 v2, v1;
	v5 =	vld.idx.msk [tilespmem:v5+s12+$0x0], $0xffff  }
0x150: {  	v8 =	vor.u32 s18, v0  }
0x151: {  	s18 =	sadd.s32 $0xFFFFDC00, s16;
	v2 =	vadd.f32 v4, v2;
	v4 =	vld.idx.msk [tilespmem:v6+s12+$0x0], $0xffff  }
0x152: {  	v6 =	vor.u32 s18, v0  }
0x153: {  	s18 =	sadd.s32 $0xFFFFDE00, s16;
	v2 =	vadd.f32 v3, v2;
	v3 =	vld.idx.msk [tilespmem:v7+s12+$0x0], $0xffff  }
0x154: {  	v7 =	vor.u32 s18, v0  }
0x155: {  	s18 =	sadd.s32 $0xFFFFE000, s16;
	v2 =	vadd.f32 v5, v2;
	v5 =	vld.idx.msk [tilespmem:v8+s12+$0x0], $0xffff  }
0x156: {  	v8 =	vor.u32 s18, v0  }
0x157: {  	s18 =	sadd.s32 $0xFFFFE200, s16;
	v2 =	vadd.f32 v4, v2;
	v4 =	vld.idx.msk [tilespmem:v6+s12+$0x0], $0xffff  }
0x158: {  	v6 =	vor.u32 s18, v0  }
0x159: {  	s18 =	sadd.s32 $0xFFFFE400, s16;
	v2 =	vadd.f32 v3, v2;
	v3 =	vld.idx.msk [tilespmem:v7+s12+$0x0], $0xffff  }
0x15a: {  	v7 =	vor.u32 s18, v0  }
0x15b: {  	s18 =	sadd.s32 $0xFFFFE600, s16;
	v2 =	vadd.f32 v5, v2;
	v5 =	vld.idx.msk [tilespmem:v8+s12+$0x0], $0xffff  }
0x15c: {  	v8 =	vor.u32 s18, v0  }
0x15d: {  	s18 =	sadd.s32 $0xFFFFE800, s16;
	v2 =	vadd.f32 v4, v2;
	v4 =	vld.idx.msk [tilespmem:v6+s12+$0x0], $0xffff  }
0x15e: {  	v6 =	vor.u32 s18, v0  }
0x15f: {  	s18 =	sadd.s32 $0xFFFFEA00, s16;
	v2 =	vadd.f32 v3, v2;
	v3 =	vld.idx.msk [tilespmem:v7+s12+$0x0], $0xffff  }
0x160: {  	v7 =	vor.u32 s18, v0  }
0x161: {  	s18 =	sadd.s32 $0xFFFFEC00, s16;
	v2 =	vadd.f32 v5, v2;
	v5 =	vld.idx.msk [tilespmem:v8+s12+$0x0], $0xffff  }
0x162: {  	v8 =	vor.u32 s18, v0  }
0x163: {  	s18 =	sadd.s32 $0xFFFFEE00, s16;
	v2 =	vadd.f32 v4, v2;
	v4 =	vld.idx.msk [tilespmem:v6+s12+$0x0], $0xffff  }
0x164: {  	v6 =	vor.u32 s18, v0  }
0x165: {  	s18 =	sadd.s32 $0xFFFFF000, s16;
	v2 =	vadd.f32 v3, v2;
	v3 =	vld.idx.msk [tilespmem:v7+s12+$0x0], $0xffff  }
0x166: {  	v7 =	vor.u32 s18, v0  }
0x167: {  	s18 =	sadd.s32 $0xFFFFF200, s16;
	v2 =	vadd.f32 v5, v2;
	v5 =	vld.idx.msk [tilespmem:v8+s12+$0x0], $0xffff  }
0x168: {  	v8 =	vor.u32 s18, v0  }
0x169: {  	s18 =	sadd.s32 $0xFFFFF400, s16;
	v2 =	vadd.f32 v4, v2;
	v4 =	vld.idx.msk [tilespmem:v6+s12+$0x0], $0xffff  }
0x16a: {  	v6 =	vor.u32 s18, v0  }
0x16b: {  	s18 =	sadd.s32 $0xFFFFF600, s16;
	v2 =	vadd.f32 v3, v2;
	v3 =	vld.idx.msk [tilespmem:v7+s12+$0x0], $0xffff  }
0x16c: {  	v7 =	vor.u32 s18, v0  }
0x16d: {  	s18 =	sadd.s32 $0xFFFFF800, s16;
	v2 =	vadd.f32 v5, v2;
	v5 =	vld.idx.msk [tilespmem:v8+s12+$0x0], $0xffff  }
0x16e: {  	v8 =	vor.u32 s18, v0  }
0x16f: {  	s18 =	sadd.s32 $0xFFFFFA00, s16;
	v2 =	vadd.f32 v4, v2;
	v4 =	vld.idx.msk [tilespmem:v6+s12+$0x0], $0xffff  }
0x170: {  	v6 =	vor.u32 s18, v0  }
0x171: {  	s18 =	sadd.s32 $0xFFFFFC00, s16;
	v2 =	vadd.f32 v3, v2;
	v3 =	vld.idx.msk [tilespmem:v7+s12+$0x0], $0xffff  }
0x172: {  	v7 =	vor.u32 s18, v0  }
0x173: {  	s18 =	sadd.s32 $0xFFFFFE00, s16;
	v2 =	vadd.f32 v5, v2;
	v5 =	vld.idx.msk [tilespmem:v8+s12+$0x0], $0xffff  }
0x174: {  	v8 =	vor.u32 s18, v0  }
0x175: {  	v2 =	vadd.f32 v4, v2;
	v4 =	vld.idx.msk [tilespmem:v6+s12+$0x0], $0xffff  }
0x176: {  	v6 =	vor.u32 s16, v0;
	s16 =	smov.u32 s17  }
0x177: {  	v2 =	vadd.f32 v3, v2;
	v7 =	vld.idx.msk [tilespmem:v7+s12+$0x0], $0xffff;
	_ =	sdelay $0x1  }
0x178: {  	v2 =	vadd.f32 v5, v2;
	v3 =	vld.idx.msk [tilespmem:v8+s12+$0x0], $0xffff  }
.Ltmp1:
0x179: {  	(pc) =	sbr.rel @p0 .LBB2_4-.Ltmp1, $3  }
0x17a: {  	v4 =	vadd.f32 v4, v2;
	v2 =	vld.idx.msk [tilespmem:v6+s12+$0x0], $0xffff;
	_ =	sdelay $0x1  }
0x17b: {  	v4 =	vadd.f32 v7, v4  }
0x17c: {  	s17 =	sadd.s32 $0x10, s17;
	s18 =	sadd.s32 $0xFFFFCE00, s16  }
0x17d: {  	v5 =	vor.u32 s18, v0;
	v3 =	vadd.f32 v3, v4  }
0x17e: {  	s17 =	sadd.s32 $0xFFFFD000, s16  }
0x17f: {  	v34 =	vor.u32 s17, v0;
	v2 =	vadd.f32 v2, v3  }
0x180: {  	s21 =	sadd.s32 $0xFFFFD200, s16;
	s15 =	sadd.s32 $0x10, s15  }
0x181: {  	v3 =	vor.u32 s21, v0;
	[tilespmem:s15+$0x0] =	vst v2  }
0x182: {  	s22 =	sadd.s32 $0xFFFFD400, s16;
	v2 =	vld.idx.msk [tilespmem:v5+s12+$0x0], $0xffff  }
0x183: {  	v35 =	vor.u32 s22, v0  }
0x184: {  	s23 =	sadd.s32 $0xFFFFD600, s16;
	v4 =	vld.idx.msk [tilespmem:v34+s12+$0x0], $0xffff  }
0x185: {  	v6 =	vor.u32 s23, v0  }
0x186: {  	s24 =	sadd.s32 $0xFFFFD800, s16;
	v3 =	vld.idx.msk [tilespmem:v3+s12+$0x0], $0xffff  }
0x187: {  	v7 =	vor.u32 s24, v0;
	v1 =	vadd.f32 v2, v1  }
0x188: {  	s25 =	sadd.s32 $0xFFFFDA00, s16;
	v2 =	vld.idx.msk [tilespmem:v35+s12+$0x0], $0xffff  }
0x189: {  	v36 =	vor.u32 s25, v0;
	v1 =	vadd.f32 v4, v1  }
0x18a: {  	s26 =	sadd.s32 $0xFFFFDC00, s16;
	v37 =	vld.idx.msk [tilespmem:v6+s12+$0x0], $0xffff  }
0x18b: {  	v38 =	vor.u32 s26, v0;
	v1 =	vadd.f32 v3, v1  }
0x18c: {  	s28 =	sadd.s32 $0xFFFFDE00, s16;
	v3 =	vld.idx.msk [tilespmem:v7+s12+$0x0], $0xffff  }
0x18d: {  	v39 =	vor.u32 s28, v0;
	v1 =	vadd.f32 v2, v1  }
0x18e: {  	s29 =	sadd.s32 $0xFFFFE000, s16;
	v2 =	vld.idx.msk [tilespmem:v36+s12+$0x0], $0xffff  }
0x18f: {  	v40 =	vor.u32 s29, v0;
	v1 =	vadd.f32 v37, v1  }
0x190: {  	s30 =	sadd.s32 $0xFFFFE200, s16;
	v41 =	vld.idx.msk [tilespmem:v38+s12+$0x0], $0xffff  }
0x191: {  	v42 =	vor.u32 s30, v0;
	v1 =	vadd.f32 v3, v1  }
0x192: {  	s31 =	sadd.s32 $0xFFFFE400, s16;
	v3 =	vld.idx.msk [tilespmem:v39+s12+$0x0], $0xffff  }
0x193: {  	v43 =	vor.u32 s31, v0;
	v1 =	vadd.f32 v2, v1  }
0x194: {  	s18 =	sadd.s32 $0xFFFFE600, s16;
	v2 =	vld.idx.msk [tilespmem:v40+s12+$0x0], $0xffff  }
0x195: {  	v44 =	vor.u32 s18, v0;
	v1 =	vadd.f32 v41, v1  }
0x196: {  	s19 =	sadd.s32 $0xFFFFE800, s16;
	v45 =	vld.idx.msk [tilespmem:v42+s12+$0x0], $0xffff  }
0x197: {  	v46 =	vor.u32 s19, v0;
	v1 =	vadd.f32 v3, v1  }
0x198: {  	s20 =	sadd.s32 $0xFFFFEA00, s16;
	v3 =	vld.idx.msk [tilespmem:v43+s12+$0x0], $0xffff  }
0x199: {  	v47 =	vor.u32 s20, v0;
	v1 =	vadd.f32 v2, v1  }
0x19a: {  	s21 =	sadd.s32 $0xFFFFEC00, s16;
	v2 =	vld.idx.msk [tilespmem:v44+s12+$0x0], $0xffff  }
0x19b: {  	v48 =	vor.u32 s21, v0;
	v1 =	vadd.f32 v45, v1  }
0x19c: {  	s22 =	sadd.s32 $0xFFFFEE00, s16;
	v49 =	vld.idx.msk [tilespmem:v46+s12+$0x0], $0xffff  }
0x19d: {  	v50 =	vor.u32 s22, v0;
	v1 =	vadd.f32 v3, v1  }
0x19e: {  	s23 =	sadd.s32 $0xFFFFF000, s16;
	v3 =	vld.idx.msk [tilespmem:v47+s12+$0x0], $0xffff  }
0x19f: {  	v51 =	vor.u32 s23, v0;
	v1 =	vadd.f32 v2, v1  }
0x1a0: {  	s24 =	sadd.s32 $0xFFFFF200, s16;
	v2 =	vld.idx.msk [tilespmem:v48+s12+$0x0], $0xffff  }
0x1a1: {  	v52 =	vor.u32 s24, v0;
	v1 =	vadd.f32 v49, v1  }
0x1a2: {  	s25 =	sadd.s32 $0xFFFFF400, s16;
	v53 =	vld.idx.msk [tilespmem:v50+s12+$0x0], $0xffff  }
0x1a3: {  	v54 =	vor.u32 s25, v0;
	v1 =	vadd.f32 v3, v1  }
0x1a4: {  	s26 =	sadd.s32 $0xFFFFF600, s16;
	v3 =	vld.idx.msk [tilespmem:v51+s12+$0x0], $0xffff  }
0x1a5: {  	v55 =	vor.u32 s26, v0;
	v1 =	vadd.f32 v2, v1  }
0x1a6: {  	s28 =	sadd.s32 $0xFFFFF800, s16;
	v2 =	vld.idx.msk [tilespmem:v52+s12+$0x0], $0xffff  }
0x1a7: {  	v56 =	vor.u32 s28, v0;
	v1 =	vadd.f32 v53, v1  }
0x1a8: {  	s29 =	sadd.s32 $0xFFFFFA00, s16;
	v57 =	vld.idx.msk [tilespmem:v54+s12+$0x0], $0xffff  }
0x1a9: {  	v58 =	vor.u32 s29, v0;
	v1 =	vadd.f32 v3, v1  }
0x1aa: {  	s30 =	sadd.s32 $0xFFFFFC00, s16;
	v3 =	vld.idx.msk [tilespmem:v55+s12+$0x0], $0xffff  }
0x1ab: {  	v59 =	vor.u32 s30, v0;
	v1 =	vadd.f32 v2, v1  }
0x1ac: {  	s31 =	sadd.s32 $0xFFFFFE00, s16;
	v2 =	vld.idx.msk [tilespmem:v56+s12+$0x0], $0xffff  }
0x1ad: {  	v60 =	vor.u32 s31, v0;
	v1 =	vadd.f32 v57, v1  }
0x1ae: {  	v61 =	vld.idx.msk [tilespmem:v58+s12+$0x0], $0xffff  }
0x1af: {  	v62 =	vor.u32 s16, v0;
	v1 =	vadd.f32 v3, v1  }
0x1b0: {  	v3 =	vld.idx.msk [tilespmem:v59+s12+$0x0], $0xffff  }
0x1b1: {  	v1 =	vadd.f32 v2, v1  }
0x1b2: {  	v2 =	vld.idx.msk [tilespmem:v60+s12+$0x0], $0xffff  }
0x1b3: {  	v1 =	vadd.f32 v61, v1  }
0x1b4: {  	v63 =	vld.idx.msk [tilespmem:v62+s12+$0x0], $0xffff  }
0x1b5: {  	v1 =	vadd.f32 v3, v1;
	_ =	sdelay $0x1  }
0x1b6: {  	v1 =	vadd.f32 v2, v1;
	_ =	sdelay $0x1  }
0x1b7: {  	s14 =	sadd.s32 $0x1, s14;
	v1 =	vadd.f32 v63, v1  }
0x1b8: {  	p0 =	sne.s32 s14, s7;
	s15 =	sadd.s32 $0x10, s15  }
.Ltmp2:
0x1b9: {  	[tilespmem:s15+$0x0] =	vst v1;
	(pc) =	sbr.rel @p0 .LBB2_1-.Ltmp2, $4  }
0x1ba: {  	[hbm4b:s6+s4] =	stream.linear.scatter [tilespmem:s13], [sflag:$0x2], $0x200, $0x38;
	[tilespmem:$0x6A80] =	vst v63  }
0x1bb: {  	_ =	swait.ge [sflag:s8], $0x200  }
0x1bc: {  	[sflag:s8] =	ssyncset.done $0x0  }
0x1bd: {  	[sflag:s8] =	ssyncadd.s32 $0xFFFFFE00  }
0x1be: {  	_ =	sfence.sel $0x180000  }
0x1bf: {  	[bflag:$0x0] =	sbarrier.arrive $0xFFFF  }
0x1c0: {  	p0 =	sne.s32 s0, $0x0;
	_ =	strace $0x90000047  }
0x1c1: {  	s0 =	sadd.s32 @!p0 $0x100000, s2;
	[bflag:$0x2] =	sbarrier.arrive $0xFFFF  }
0x1c2: {  	[sflag:s0] =	ssyncadd.tile.s32 @!p0 $0x1;
	_ =	shalt  }
.Lfunc_end2:
_tile_overlayer_lowered:
.L_overlay_start_2:
0x1c3: {  	(tag) =	ssettag $0x2  }
0x1c4: {  	s0 =	rddreg [dreg:$0x0];
	s2 =	stileid.u32  }
0x1c5: {  	s1 =	rddreg [dreg:$0x1];
	p0 =	sne.s32 s2, $0x0  }
0x1c6: {  	s3 =	rddreg [dreg:$0x2];
	[bflag:$0x3] =	sbarrier.arrive $0xFFFF;
	s2 =	simm.s32 @!p0 $0x1C02  }
0x1c7: {  	[timem:s3], [sflag:s2] =	dma.local @!p0 [hbm:s0], s1  }
0x1c8: {  	s0 =	simm.s32 @!p0 $0x2  }
0x1c9: {  	_ =	swait.ge @!p0 [sflag:s0], s1  }
0x1ca: {  	s1 =	ssub.s32 @!p0 $0x0, s1;
	[sflag:s0] =	ssyncset.done @!p0 $0x0  }
0x1cb: {  	[sflag:s0] =	ssyncadd.s32 @!p0 s1  }
0x1cc: {  	[bflag:$0x3] =	sbarrier.arrive $0xFFFF  }
0x1cd: {  	_ =	shalt  }

</sc_bundles>
